<compile_context>
chip_gen: v7x
topology: tpu7x:2x2x1
jax: 0.10.2.dev20260603
libtpu: 0.0.44.dev20260713+nightly
codegen_flags: <defaults>
</compile_context>

<pallas_src>
import jax
import jax.numpy as jnp
from jax import lax
from jax.experimental import pallas as pl
from jax.experimental.pallas import tpu as pltpu
from jax.experimental.pallas import tpu_sc as plsc

SEQ = 200
BATCH = 16384
VOCAB = 1000000
NC = 2
NS = 16
NW = NC * NS
BPW = BATCH // NW
NCHUNK = BPW // 128
LANES = 16
RCHUNK = 40
NRC = SEQ // RCHUNK


def _lr_body(inp_hbm, lut_hbm, bias_hbm, out_hbm,
             table_sh, idx_all, acc_v, bias_sm,
             csem0, csem1, csem2, csem3, csem4, gsem):
    cid = lax.axis_index("c")
    sid = lax.axis_index("s")
    wid = cid * NS + sid
    csems = (csem0, csem1, csem2, csem3, csem4)

    def chunk_desc(c, slot):
        return pltpu.make_async_copy(
            inp_hbm.at[pl.ds(c * RCHUNK, RCHUNK), pl.ds(wid * BPW, BPW)],
            idx_all.at[slot], csems[c])

    chunk_desc(0, 0).start()
    chunk_desc(1, 1).start()

    @pl.when(sid == 0)
    def _():
        pltpu.sync_copy(lut_hbm.at[0], table_sh)

    bias_sm[...] = jnp.zeros((LANES,), jnp.float32)
    pltpu.sync_copy(bias_hbm, bias_sm.at[pl.ds(0, 1)])

    zero_idx = jnp.zeros((LANES,), jnp.int32)
    bvec = bias_sm[...].at[zero_idx].get(mode="promise_in_bounds")
    for i in range(BPW // LANES):
        acc_v[pl.ds(i * LANES, LANES)] = bvec

    plsc.subcore_barrier()

    def fire_row(slot):
        def f(s, carry):
            for j in range(NCHUNK):
                pltpu.async_copy(
                    table_sh.at[idx_all.at[slot, s, pl.ds(j * 128, 128)]],
                    acc_v.at[pl.ds(j * 128, 128)], gsem, add=True)
            return carry
        return f

    def drain_row(slot):
        def f(s, carry):
            for j in range(NCHUNK):
                pltpu.make_async_copy(
                    table_sh.at[idx_all.at[slot, s, pl.ds(j * 128, 128)]],
                    acc_v.at[pl.ds(j * 128, 128)], gsem).wait()
            return carry
        return f

    for c in range(NRC):
        chunk_desc(c, c % 3).wait()
        lax.fori_loop(0, RCHUNK, fire_row(c % 3), 0)
        if c >= 1:
            lax.fori_loop(0, RCHUNK, drain_row((c - 1) % 3), 0)
        if c + 2 < NRC:
            chunk_desc(c + 2, (c + 2) % 3).start()

    lax.fori_loop(0, RCHUNK, drain_row((NRC - 1) % 3), 0)

    pltpu.sync_copy(acc_v, out_hbm.at[pl.ds(wid * BPW, BPW)])


@jax.jit
def kernel(input, lut, bias):
    lut_flat = lut.reshape(1, VOCAB)
    run = pl.kernel(
        _lr_body,
        out_type=jax.ShapeDtypeStruct((BATCH,), jnp.float32),
        mesh=plsc.VectorSubcoreMesh(core_axis_name="c", subcore_axis_name="s"),
        scratch_types=[
            pltpu.VMEM_SHARED((VOCAB,), jnp.float32),
            pltpu.VMEM((3, RCHUNK, BPW), jnp.int32),
            pltpu.VMEM((BPW,), jnp.float32),
            pltpu.VMEM((LANES,), jnp.float32),
            pltpu.SemaphoreType.DMA,
            pltpu.SemaphoreType.DMA,
            pltpu.SemaphoreType.DMA,
            pltpu.SemaphoreType.DMA,
            pltpu.SemaphoreType.DMA,
            pltpu.SemaphoreType.DMA,
        ],
    )
    return run(input, lut_flat, bias)

# --- scband reference (transcript-rebuilt; emitter-appended) ---
"""Pipeline reference for scband-lr-15315853377775 (READ-ONLY COPY).

The authoritative reference and input builder live on the scoring server;
editing this copy changes nothing except your own understanding.
"""

import jax, jax.numpy as jnp
import numpy as np

VOCAB = 1000000
SEQ = 200
BATCH = 16384

def setup_inputs(seed: int = 0) -> dict:
    key = jax.random.key(seed)
    k1, k2 = jax.random.split(key)
    inp = jax.random.randint(k1, (SEQ, BATCH), 0, VOCAB, dtype=jnp.int64 if jax.config.jax_enable_x64 else jnp.int32)
    lut = jax.random.normal(k2, (VOCAB, 1), dtype=jnp.float32)
    bias = jnp.zeros((1,), dtype=jnp.float32)
    return {"input": inp, "lut": lut, "bias": bias}

def reference(input, lut, bias):
    # LR.forward: self.lut(input).squeeze(-1).sum(0) + self.bias
    emb = jnp.take(lut, input, axis=0)          # [SEQ, BATCH, 1] gather
    scores = jnp.squeeze(emb, axis=-1).sum(axis=0)  # [BATCH]
    return scores + bias                         # broadcast bias -> [BATCH]

if __name__ == "__main__":
    import jax
    _d = setup_inputs()
    print(jax.jit(kernel)(*tuple(_d.values())))

</pallas_src>

<mosaic_0001>
#map = affine_map<(d0, d1) -> (0, 0)>
#map1 = affine_map<(d0, d1) -> (0)>
module attributes {stable_mosaic.version = 14 : i64} {
  func.func @_lr_body(%arg0: i32, %arg1: i32, %arg2: memref<200x16384xi32, #tpu.memory_space<hbm>>, %arg3: memref<1x1000000xf32, #tpu.memory_space<hbm>>, %arg4: memref<1xf32, #tpu.memory_space<hbm>>, %arg5: memref<16384xf32, #tpu.memory_space<hbm>>, %arg6: memref<1000000xf32, #tpu.memory_space<vmem_shared>>, %arg7: memref<3x40x512xi32, #tpu.memory_space<vmem>>, %arg8: memref<512xf32, #tpu.memory_space<vmem>>, %arg9: memref<16xf32, #tpu.memory_space<vmem>>, %arg10: memref<!tpu.dma_semaphore, #tpu.memory_space<semaphore_mem>>, %arg11: memref<!tpu.dma_semaphore, #tpu.memory_space<semaphore_mem>>, %arg12: memref<!tpu.dma_semaphore, #tpu.memory_space<semaphore_mem>>, %arg13: memref<!tpu.dma_semaphore, #tpu.memory_space<semaphore_mem>>, %arg14: memref<!tpu.dma_semaphore, #tpu.memory_space<semaphore_mem>>, %arg15: memref<!tpu.dma_semaphore, #tpu.memory_space<semaphore_mem>>) attributes {dimension_semantics = [#tpu.dimension_semantics<core_parallel>, #tpu.dimension_semantics<subcore_parallel>], iteration_bounds = array<i64: 2, 16>, scalar_prefetch = 0 : i64, scratch_operands = 10 : i64, tpu.core_type = #tpu.core_type<sc_vector_subcore>, window_params = [{transform_indices = #map}, {transform_indices = #map}, {transform_indices = #map1}, {transform_indices = #map1}]} {
    %mul3A = arith.constant 16 : i32
    %mul3A_0 = arith.muli %arg0, %mul3A : i32
    %add3A = arith.addi %mul3A_0, %arg1 : i32
    %mul3A_1 = arith.constant 512 : i32
    %mul3A_2 = arith.muli %add3A, %mul3A_1 : i32
    %dma_start3A = arith.constant 0 : i32
    %dma_start3A_3 = arith.constant 0 : i32
    %dma_start3A_4 = arith.constant 0 : i32
    %dma_start3A_5 = tpu.memref_slice %arg7[%dma_start3A, %dma_start3A_3, %dma_start3A_4] : memref<3x40x512xi32, #tpu.memory_space<vmem>> -> memref<1x40x512xi32, #tpu.memory_space<vmem>>
    %dma_start3A_6 = tpu.memref_squeeze %dma_start3A_5 : memref<1x40x512xi32, #tpu.memory_space<vmem>> -> memref<40x512xi32, #tpu.memory_space<vmem>>
    %dma_start3A_7 = arith.constant 0 : i32
    %dma_start3A_8 = tpu.memref_slice %arg2[%dma_start3A_7, %mul3A_2] : memref<200x16384xi32, #tpu.memory_space<hbm>> -> memref<40x512xi32, #tpu.memory_space<hbm>>
    %dma_start3A_9 = arith.constant 0 : i32
    %dma_start3A_10 = arith.constant 0 : i32
    %dma_start3A_11 = tpu.memref_slice %arg7[%dma_start3A, %dma_start3A_9, %dma_start3A_10] : memref<3x40x512xi32, #tpu.memory_space<vmem>> -> memref<1x40x512xi32, #tpu.memory_space<vmem>>
    %dma_start3A_12 = tpu.memref_squeeze %dma_start3A_11 : memref<1x40x512xi32, #tpu.memory_space<vmem>> -> memref<40x512xi32, #tpu.memory_space<vmem>>
    %dma_start3A_13 = arith.constant 0 : i32
    %dma_start3A_14 = tpu.memref_slice %arg2[%dma_start3A_13, %mul3A_2] : memref<200x16384xi32, #tpu.memory_space<hbm>> -> memref<40x512xi32, #tpu.memory_space<hbm>>
    tpu.enqueue_dma source(%dma_start3A_14 : memref<40x512xi32, #tpu.memory_space<hbm>>) target(%dma_start3A_12 : memref<40x512xi32, #tpu.memory_space<vmem>>) target_semaphore(%arg10 : memref<!tpu.dma_semaphore, #tpu.memory_space<semaphore_mem>>)
    %mul3A_15 = arith.constant 512 : i32
    %mul3A_16 = arith.muli %add3A, %mul3A_15 : i32
    %dma_start3A_17 = arith.constant 1 : i32
    %dma_start3A_18 = arith.constant 0 : i32
    %dma_start3A_19 = arith.constant 0 : i32
    %dma_start3A_20 = tpu.memref_slice %arg7[%dma_start3A_17, %dma_start3A_18, %dma_start3A_19] : memref<3x40x512xi32, #tpu.memory_space<vmem>> -> memref<1x40x512xi32, #tpu.memory_space<vmem>>
    %dma_start3A_21 = tpu.memref_squeeze %dma_start3A_20 : memref<1x40x512xi32, #tpu.memory_space<vmem>> -> memref<40x512xi32, #tpu.memory_space<vmem>>
    %dma_start3A_22 = arith.constant 40 : i32
    %dma_start3A_23 = tpu.memref_slice %arg2[%dma_start3A_22, %mul3A_16] : memref<200x16384xi32, #tpu.memory_space<hbm>> -> memref<40x512xi32, #tpu.memory_space<hbm>>
    %dma_start3A_24 = arith.constant 0 : i32
    %dma_start3A_25 = arith.constant 0 : i32
    %dma_start3A_26 = tpu.memref_slice %arg7[%dma_start3A_17, %dma_start3A_24, %dma_start3A_25] : memref<3x40x512xi32, #tpu.memory_space<vmem>> -> memref<1x40x512xi32, #tpu.memory_space<vmem>>
    %dma_start3A_27 = tpu.memref_squeeze %dma_start3A_26 : memref<1x40x512xi32, #tpu.memory_space<vmem>> -> memref<40x512xi32, #tpu.memory_space<vmem>>
    %dma_start3A_28 = arith.constant 40 : i32
    %dma_start3A_29 = tpu.memref_slice %arg2[%dma_start3A_28, %mul3A_16] : memref<200x16384xi32, #tpu.memory_space<hbm>> -> memref<40x512xi32, #tpu.memory_space<hbm>>
    tpu.enqueue_dma source(%dma_start3A_29 : memref<40x512xi32, #tpu.memory_space<hbm>>) target(%dma_start3A_27 : memref<40x512xi32, #tpu.memory_space<vmem>>) target_semaphore(%arg11 : memref<!tpu.dma_semaphore, #tpu.memory_space<semaphore_mem>>)
    %eq3A = arith.constant 0 : i32
    %eq3A_30 = arith.cmpi eq, %arg1, %eq3A : i32
    %convert_element_type3A = arith.extui %eq3A_30 : i1 to i32
    %cond3A = arith.constant 0 : i32
    %cond3A_31 = arith.cmpi ne, %convert_element_type3A, %cond3A : i32
    scf.if %cond3A_31 {
      %run_scoped3A = arith.constant 0 : i32
      "tpu.region"() ({
        %run_scoped3A_355 = tpu.sem_alloc : memref<!tpu.dma_semaphore, #tpu.memory_space<semaphore_mem>>
        %dma_start3A_356 = arith.constant 0 : i32
        %dma_start3A_357 = tpu.memref_slice %arg3[%run_scoped3A, %dma_start3A_356] : memref<1x1000000xf32, #tpu.memory_space<hbm>> -> memref<1x1000000xf32, #tpu.memory_space<hbm>>
        %dma_start3A_358 = tpu.memref_squeeze %dma_start3A_357 : memref<1x1000000xf32, #tpu.memory_space<hbm>> -> memref<1000000xf32, #tpu.memory_space<hbm>>
        tpu.enqueue_dma source(%dma_start3A_358 : memref<1000000xf32, #tpu.memory_space<hbm>>) target(%arg6 : memref<1000000xf32, #tpu.memory_space<vmem_shared>>) target_semaphore(%run_scoped3A_355 : memref<!tpu.dma_semaphore, #tpu.memory_space<semaphore_mem>>)
        %dma_wait3A_359 = arith.constant 0 : i32
        %dma_wait3A_360 = tpu.memref_slice %arg3[%run_scoped3A, %dma_wait3A_359] : memref<1x1000000xf32, #tpu.memory_space<hbm>> -> memref<1x1000000xf32, #tpu.memory_space<hbm>>
        %dma_wait3A_361 = tpu.memref_squeeze %dma_wait3A_360 : memref<1x1000000xf32, #tpu.memory_space<hbm>> -> memref<1000000xf32, #tpu.memory_space<hbm>>
        tpu.wait_dma2 semaphore(%run_scoped3A_355 : memref<!tpu.dma_semaphore, #tpu.memory_space<semaphore_mem>>) src(%dma_wait3A_361 : memref<1000000xf32, #tpu.memory_space<hbm>>) dst(%arg6 : memref<1000000xf32, #tpu.memory_space<vmem_shared>>)
        tpu.yield
      }) : () -> ()
    } else {
    }
    %broadcast_in_dim3A = arith.constant 0.000000e+00 : f32
    %broadcast_in_dim3A_32 = vector.broadcast %broadcast_in_dim3A : f32 to vector<16xf32>
    %swap3A = arith.constant 0 : index
    %swap3A_33 = tpu.vector_load %arg9[%swap3A] {strides = array<i32>} : memref<16xf32, #tpu.memory_space<vmem>>, vector<16xf32>,
    %swap3A_34 = vector.shape_cast %swap3A_33 : vector<16xf32> to vector<16xf32>
    %swap3A_35 = vector.shape_cast %broadcast_in_dim3A_32 : vector<16xf32> to vector<16xf32>
    tpu.vector_store %arg9[%swap3A], %swap3A_35 {strides = array<i32>} : memref<16xf32, #tpu.memory_space<vmem>>, vector<16xf32>,
    "tpu.region"() ({
      %run_scoped3A = tpu.sem_alloc : memref<!tpu.dma_semaphore, #tpu.memory_space<semaphore_mem>>
      %dma_start3A_355 = arith.constant 0 : i32
      %dma_start3A_356 = tpu.memref_slice %arg9[%dma_start3A_355] : memref<16xf32, #tpu.memory_space<vmem>> -> memref<1xf32, #tpu.memory_space<vmem>>
      %dma_start3A_357 = arith.constant 0 : i32
      %dma_start3A_358 = tpu.memref_slice %arg9[%dma_start3A_357] : memref<16xf32, #tpu.memory_space<vmem>> -> memref<1xf32, #tpu.memory_space<vmem>>
      tpu.enqueue_dma source(%arg4 : memref<1xf32, #tpu.memory_space<hbm>>) target(%dma_start3A_358 : memref<1xf32, #tpu.memory_space<vmem>>) target_semaphore(%run_scoped3A : memref<!tpu.dma_semaphore, #tpu.memory_space<semaphore_mem>>)
      %dma_wait3A_359 = arith.constant 0 : i32
      %dma_wait3A_360 = tpu.memref_slice %arg9[%dma_wait3A_359] : memref<16xf32, #tpu.memory_space<vmem>> -> memref<1xf32, #tpu.memory_space<vmem>>
      %dma_wait3A_361 = arith.constant 0 : i32
      %dma_wait3A_362 = tpu.memref_slice %arg9[%dma_wait3A_361] : memref<16xf32, #tpu.memory_space<vmem>> -> memref<1xf32, #tpu.memory_space<vmem>>
      tpu.wait_dma2 semaphore(%run_scoped3A : memref<!tpu.dma_semaphore, #tpu.memory_space<semaphore_mem>>) src(%arg4 : memref<1xf32, #tpu.memory_space<hbm>>) dst(%dma_wait3A_362 : memref<1xf32, #tpu.memory_space<vmem>>)
      tpu.yield
    }) : () -> ()
    %broadcast_in_dim3A_36 = arith.constant 0 : i32
    %broadcast_in_dim3A_37 = vector.broadcast %broadcast_in_dim3A_36 : i32 to vector<16xi32>
    %get3A = arith.constant 0 : index
    %get3A_38 = tpu.vector_load %arg9[%get3A] {strides = array<i32>} : memref<16xf32, #tpu.memory_space<vmem>>, vector<16xf32>,
    %get3A_39 = vector.shape_cast %get3A_38 : vector<16xf32> to vector<16xf32>
    %lt3A = arith.constant 0 : i32
    %lt3A_40 = vector.broadcast %lt3A : i32 to vector<16xi32>
    %lt3A_41 = arith.cmpi slt, %broadcast_in_dim3A_37, %lt3A_40 : vector<16xi32>
    %add3A_42 = arith.constant 16 : i32
    %add3A_43 = vector.broadcast %add3A_42 : i32 to vector<16xi32>
    %add3A_44 = arith.addi %broadcast_in_dim3A_37, %add3A_43 : vector<16xi32>
    %select_n3A = arith.select %lt3A_41, %add3A_44, %broadcast_in_dim3A_37 : vector<16xi1>, vector<16xi32>
    %broadcast_in_dim3A_45 = vector.shape_cast %select_n3A : vector<16xi32> to vector<16x1xi32>
    %gather3A = vector.shape_cast %broadcast_in_dim3A_45 : vector<16x1xi32> to vector<16xi32>
    %gather3A_46 = tpu.dynamic_gather %get3A_39[%gather3A] in [0] : vector<16xf32>, vector<16xi32> -> vector<16xf32>
    %swap3A_47 = arith.constant 0 : index
    %swap3A_48 = tpu.vector_load %arg8[%swap3A_47] {strides = array<i32>} : memref<512xf32, #tpu.memory_space<vmem>>, vector<16xf32>,
    %swap3A_49 = vector.shape_cast %swap3A_48 : vector<16xf32> to vector<16xf32>
    %swap3A_50 = vector.shape_cast %gather3A_46 : vector<16xf32> to vector<16xf32>
    tpu.vector_store %arg8[%swap3A_47], %swap3A_50 {strides = array<i32>} : memref<512xf32, #tpu.memory_space<vmem>>, vector<16xf32>,
    %swap3A_51 = arith.constant 16 : index
    %swap3A_52 = tpu.vector_load %arg8[%swap3A_51] {strides = array<i32>} : memref<512xf32, #tpu.memory_space<vmem>>, vector<16xf32>,
    %swap3A_53 = vector.shape_cast %swap3A_52 : vector<16xf32> to vector<16xf32>
    %swap3A_54 = vector.shape_cast %gather3A_46 : vector<16xf32> to vector<16xf32>
    tpu.vector_store %arg8[%swap3A_51], %swap3A_54 {strides = array<i32>} : memref<512xf32, #tpu.memory_space<vmem>>, vector<16xf32>,
    %swap3A_55 = arith.constant 32 : index
    %swap3A_56 = tpu.vector_load %arg8[%swap3A_55] {strides = array<i32>} : memref<512xf32, #tpu.memory_space<vmem>>, vector<16xf32>,
    %swap3A_57 = vector.shape_cast %swap3A_56 : vector<16xf32> to vector<16xf32>
    %swap3A_58 = vector.shape_cast %gather3A_46 : vector<16xf32> to vector<16xf32>
    tpu.vector_store %arg8[%swap3A_55], %swap3A_58 {strides = array<i32>} : memref<512xf32, #tpu.memory_space<vmem>>, vector<16xf32>,
    %swap3A_59 = arith.constant 48 : index
    %swap3A_60 = tpu.vector_load %arg8[%swap3A_59] {strides = array<i32>} : memref<512xf32, #tpu.memory_space<vmem>>, vector<16xf32>,
    %swap3A_61 = vector.shape_cast %swap3A_60 : vector<16xf32> to vector<16xf32>
    %swap3A_62 = vector.shape_cast %gather3A_46 : vector<16xf32> to vector<16xf32>
    tpu.vector_store %arg8[%swap3A_59], %swap3A_62 {strides = array<i32>} : memref<512xf32, #tpu.memory_space<vmem>>, vector<16xf32>,
    %swap3A_63 = arith.constant 64 : index
    %swap3A_64 = tpu.vector_load %arg8[%swap3A_63] {strides = array<i32>} : memref<512xf32, #tpu.memory_space<vmem>>, vector<16xf32>,
    %swap3A_65 = vector.shape_cast %swap3A_64 : vector<16xf32> to vector<16xf32>
    %swap3A_66 = vector.shape_cast %gather3A_46 : vector<16xf32> to vector<16xf32>
    tpu.vector_store %arg8[%swap3A_63], %swap3A_66 {strides = array<i32>} : memref<512xf32, #tpu.memory_space<vmem>>, vector<16xf32>,
    %swap3A_67 = arith.constant 80 : index
    %swap3A_68 = tpu.vector_load %arg8[%swap3A_67] {strides = array<i32>} : memref<512xf32, #tpu.memory_space<vmem>>, vector<16xf32>,
    %swap3A_69 = vector.shape_cast %swap3A_68 : vector<16xf32> to vector<16xf32>
    %swap3A_70 = vector.shape_cast %gather3A_46 : vector<16xf32> to vector<16xf32>
    tpu.vector_store %arg8[%swap3A_67], %swap3A_70 {strides = array<i32>} : memref<512xf32, #tpu.memory_space<vmem>>, vector<16xf32>,
    %swap3A_71 = arith.constant 96 : index
    %swap3A_72 = tpu.vector_load %arg8[%swap3A_71] {strides = array<i32>} : memref<512xf32, #tpu.memory_space<vmem>>, vector<16xf32>,
    %swap3A_73 = vector.shape_cast %swap3A_72 : vector<16xf32> to vector<16xf32>
    %swap3A_74 = vector.shape_cast %gather3A_46 : vector<16xf32> to vector<16xf32>
    tpu.vector_store %arg8[%swap3A_71], %swap3A_74 {strides = array<i32>} : memref<512xf32, #tpu.memory_space<vmem>>, vector<16xf32>,
    %swap3A_75 = arith.constant 112 : index
    %swap3A_76 = tpu.vector_load %arg8[%swap3A_75] {strides = array<i32>} : memref<512xf32, #tpu.memory_space<vmem>>, vector<16xf32>,
    %swap3A_77 = vector.shape_cast %swap3A_76 : vector<16xf32> to vector<16xf32>
    %swap3A_78 = vector.shape_cast %gather3A_46 : vector<16xf32> to vector<16xf32>
    tpu.vector_store %arg8[%swap3A_75], %swap3A_78 {strides = array<i32>} : memref<512xf32, #tpu.memory_space<vmem>>, vector<16xf32>,
    %swap3A_79 = arith.constant 128 : index
    %swap3A_80 = tpu.vector_load %arg8[%swap3A_79] {strides = array<i32>} : memref<512xf32, #tpu.memory_space<vmem>>, vector<16xf32>,
    %swap3A_81 = vector.shape_cast %swap3A_80 : vector<16xf32> to vector<16xf32>
    %swap3A_82 = vector.shape_cast %gather3A_46 : vector<16xf32> to vector<16xf32>
    tpu.vector_store %arg8[%swap3A_79], %swap3A_82 {strides = array<i32>} : memref<512xf32, #tpu.memory_space<vmem>>, vector<16xf32>,
    %swap3A_83 = arith.constant 144 : index
    %swap3A_84 = tpu.vector_load %arg8[%swap3A_83] {strides = array<i32>} : memref<512xf32, #tpu.memory_space<vmem>>, vector<16xf32>,
    %swap3A_85 = vector.shape_cast %swap3A_84 : vector<16xf32> to vector<16xf32>
    %swap3A_86 = vector.shape_cast %gather3A_46 : vector<16xf32> to vector<16xf32>
    tpu.vector_store %arg8[%swap3A_83], %swap3A_86 {strides = array<i32>} : memref<512xf32, #tpu.memory_space<vmem>>, vector<16xf32>,
    %swap3A_87 = arith.constant 160 : index
    %swap3A_88 = tpu.vector_load %arg8[%swap3A_87] {strides = array<i32>} : memref<512xf32, #tpu.memory_space<vmem>>, vector<16xf32>,
    %swap3A_89 = vector.shape_cast %swap3A_88 : vector<16xf32> to vector<16xf32>
    %swap3A_90 = vector.shape_cast %gather3A_46 : vector<16xf32> to vector<16xf32>
    tpu.vector_store %arg8[%swap3A_87], %swap3A_90 {strides = array<i32>} : memref<512xf32, #tpu.memory_space<vmem>>, vector<16xf32>,
    %swap3A_91 = arith.constant 176 : index
    %swap3A_92 = tpu.vector_load %arg8[%swap3A_91] {strides = array<i32>} : memref<512xf32, #tpu.memory_space<vmem>>, vector<16xf32>,
    %swap3A_93 = vector.shape_cast %swap3A_92 : vector<16xf32> to vector<16xf32>
    %swap3A_94 = vector.shape_cast %gather3A_46 : vector<16xf32> to vector<16xf32>
    tpu.vector_store %arg8[%swap3A_91], %swap3A_94 {strides = array<i32>} : memref<512xf32, #tpu.memory_space<vmem>>, vector<16xf32>,
    %swap3A_95 = arith.constant 192 : index
    %swap3A_96 = tpu.vector_load %arg8[%swap3A_95] {strides = array<i32>} : memref<512xf32, #tpu.memory_space<vmem>>, vector<16xf32>,
    %swap3A_97 = vector.shape_cast %swap3A_96 : vector<16xf32> to vector<16xf32>
    %swap3A_98 = vector.shape_cast %gather3A_46 : vector<16xf32> to vector<16xf32>
    tpu.vector_store %arg8[%swap3A_95], %swap3A_98 {strides = array<i32>} : memref<512xf32, #tpu.memory_space<vmem>>, vector<16xf32>,
    %swap3A_99 = arith.constant 208 : index
    %swap3A_100 = tpu.vector_load %arg8[%swap3A_99] {strides = array<i32>} : memref<512xf32, #tpu.memory_space<vmem>>, vector<16xf32>,
    %swap3A_101 = vector.shape_cast %swap3A_100 : vector<16xf32> to vector<16xf32>
    %swap3A_102 = vector.shape_cast %gather3A_46 : vector<16xf32> to vector<16xf32>
    tpu.vector_store %arg8[%swap3A_99], %swap3A_102 {strides = array<i32>} : memref<512xf32, #tpu.memory_space<vmem>>, vector<16xf32>,
    %swap3A_103 = arith.constant 224 : index
    %swap3A_104 = tpu.vector_load %arg8[%swap3A_103] {strides = array<i32>} : memref<512xf32, #tpu.memory_space<vmem>>, vector<16xf32>,
    %swap3A_105 = vector.shape_cast %swap3A_104 : vector<16xf32> to vector<16xf32>
    %swap3A_106 = vector.shape_cast %gather3A_46 : vector<16xf32> to vector<16xf32>
    tpu.vector_store %arg8[%swap3A_103], %swap3A_106 {strides = array<i32>} : memref<512xf32, #tpu.memory_space<vmem>>, vector<16xf32>,
    %swap3A_107 = arith.constant 240 : index
    %swap3A_108 = tpu.vector_load %arg8[%swap3A_107] {strides = array<i32>} : memref<512xf32, #tpu.memory_space<vmem>>, vector<16xf32>,
    %swap3A_109 = vector.shape_cast %swap3A_108 : vector<16xf32> to vector<16xf32>
    %swap3A_110 = vector.shape_cast %gather3A_46 : vector<16xf32> to vector<16xf32>
    tpu.vector_store %arg8[%swap3A_107], %swap3A_110 {strides = array<i32>} : memref<512xf32, #tpu.memory_space<vmem>>, vector<16xf32>,
    %swap3A_111 = arith.constant 256 : index
    %swap3A_112 = tpu.vector_load %arg8[%swap3A_111] {strides = array<i32>} : memref<512xf32, #tpu.memory_space<vmem>>, vector<16xf32>,
    %swap3A_113 = vector.shape_cast %swap3A_112 : vector<16xf32> to vector<16xf32>
    %swap3A_114 = vector.shape_cast %gather3A_46 : vector<16xf32> to vector<16xf32>
    tpu.vector_store %arg8[%swap3A_111], %swap3A_114 {strides = array<i32>} : memref<512xf32, #tpu.memory_space<vmem>>, vector<16xf32>,
    %swap3A_115 = arith.constant 272 : index
    %swap3A_116 = tpu.vector_load %arg8[%swap3A_115] {strides = array<i32>} : memref<512xf32, #tpu.memory_space<vmem>>, vector<16xf32>,
    %swap3A_117 = vector.shape_cast %swap3A_116 : vector<16xf32> to vector<16xf32>
    %swap3A_118 = vector.shape_cast %gather3A_46 : vector<16xf32> to vector<16xf32>
    tpu.vector_store %arg8[%swap3A_115], %swap3A_118 {strides = array<i32>} : memref<512xf32, #tpu.memory_space<vmem>>, vector<16xf32>,
    %swap3A_119 = arith.constant 288 : index
    %swap3A_120 = tpu.vector_load %arg8[%swap3A_119] {strides = array<i32>} : memref<512xf32, #tpu.memory_space<vmem>>, vector<16xf32>,
    %swap3A_121 = vector.shape_cast %swap3A_120 : vector<16xf32> to vector<16xf32>
    %swap3A_122 = vector.shape_cast %gather3A_46 : vector<16xf32> to vector<16xf32>
    tpu.vector_store %arg8[%swap3A_119], %swap3A_122 {strides = array<i32>} : memref<512xf32, #tpu.memory_space<vmem>>, vector<16xf32>,
    %swap3A_123 = arith.constant 304 : index
    %swap3A_124 = tpu.vector_load %arg8[%swap3A_123] {strides = array<i32>} : memref<512xf32, #tpu.memory_space<vmem>>, vector<16xf32>,
    %swap3A_125 = vector.shape_cast %swap3A_124 : vector<16xf32> to vector<16xf32>
    %swap3A_126 = vector.shape_cast %gather3A_46 : vector<16xf32> to vector<16xf32>
    tpu.vector_store %arg8[%swap3A_123], %swap3A_126 {strides = array<i32>} : memref<512xf32, #tpu.memory_space<vmem>>, vector<16xf32>,
    %swap3A_127 = arith.constant 320 : index
    %swap3A_128 = tpu.vector_load %arg8[%swap3A_127] {strides = array<i32>} : memref<512xf32, #tpu.memory_space<vmem>>, vector<16xf32>,
    %swap3A_129 = vector.shape_cast %swap3A_128 : vector<16xf32> to vector<16xf32>
    %swap3A_130 = vector.shape_cast %gather3A_46 : vector<16xf32> to vector<16xf32>
    tpu.vector_store %arg8[%swap3A_127], %swap3A_130 {strides = array<i32>} : memref<512xf32, #tpu.memory_space<vmem>>, vector<16xf32>,
    %swap3A_131 = arith.constant 336 : index
    %swap3A_132 = tpu.vector_load %arg8[%swap3A_131] {strides = array<i32>} : memref<512xf32, #tpu.memory_space<vmem>>, vector<16xf32>,
    %swap3A_133 = vector.shape_cast %swap3A_132 : vector<16xf32> to vector<16xf32>
    %swap3A_134 = vector.shape_cast %gather3A_46 : vector<16xf32> to vector<16xf32>
    tpu.vector_store %arg8[%swap3A_131], %swap3A_134 {strides = array<i32>} : memref<512xf32, #tpu.memory_space<vmem>>, vector<16xf32>,
    %swap3A_135 = arith.constant 352 : index
    %swap3A_136 = tpu.vector_load %arg8[%swap3A_135] {strides = array<i32>} : memref<512xf32, #tpu.memory_space<vmem>>, vector<16xf32>,
    %swap3A_137 = vector.shape_cast %swap3A_136 : vector<16xf32> to vector<16xf32>
    %swap3A_138 = vector.shape_cast %gather3A_46 : vector<16xf32> to vector<16xf32>
    tpu.vector_store %arg8[%swap3A_135], %swap3A_138 {strides = array<i32>} : memref<512xf32, #tpu.memory_space<vmem>>, vector<16xf32>,
    %swap3A_139 = arith.constant 368 : index
    %swap3A_140 = tpu.vector_load %arg8[%swap3A_139] {strides = array<i32>} : memref<512xf32, #tpu.memory_space<vmem>>, vector<16xf32>,
    %swap3A_141 = vector.shape_cast %swap3A_140 : vector<16xf32> to vector<16xf32>
    %swap3A_142 = vector.shape_cast %gather3A_46 : vector<16xf32> to vector<16xf32>
    tpu.vector_store %arg8[%swap3A_139], %swap3A_142 {strides = array<i32>} : memref<512xf32, #tpu.memory_space<vmem>>, vector<16xf32>,
    %swap3A_143 = arith.constant 384 : index
    %swap3A_144 = tpu.vector_load %arg8[%swap3A_143] {strides = array<i32>} : memref<512xf32, #tpu.memory_space<vmem>>, vector<16xf32>,
    %swap3A_145 = vector.shape_cast %swap3A_144 : vector<16xf32> to vector<16xf32>
    %swap3A_146 = vector.shape_cast %gather3A_46 : vector<16xf32> to vector<16xf32>
    tpu.vector_store %arg8[%swap3A_143], %swap3A_146 {strides = array<i32>} : memref<512xf32, #tpu.memory_space<vmem>>, vector<16xf32>,
    %swap3A_147 = arith.constant 400 : index
    %swap3A_148 = tpu.vector_load %arg8[%swap3A_147] {strides = array<i32>} : memref<512xf32, #tpu.memory_space<vmem>>, vector<16xf32>,
    %swap3A_149 = vector.shape_cast %swap3A_148 : vector<16xf32> to vector<16xf32>
    %swap3A_150 = vector.shape_cast %gather3A_46 : vector<16xf32> to vector<16xf32>
    tpu.vector_store %arg8[%swap3A_147], %swap3A_150 {strides = array<i32>} : memref<512xf32, #tpu.memory_space<vmem>>, vector<16xf32>,
    %swap3A_151 = arith.constant 416 : index
    %swap3A_152 = tpu.vector_load %arg8[%swap3A_151] {strides = array<i32>} : memref<512xf32, #tpu.memory_space<vmem>>, vector<16xf32>,
    %swap3A_153 = vector.shape_cast %swap3A_152 : vector<16xf32> to vector<16xf32>
    %swap3A_154 = vector.shape_cast %gather3A_46 : vector<16xf32> to vector<16xf32>
    tpu.vector_store %arg8[%swap3A_151], %swap3A_154 {strides = array<i32>} : memref<512xf32, #tpu.memory_space<vmem>>, vector<16xf32>,
    %swap3A_155 = arith.constant 432 : index
    %swap3A_156 = tpu.vector_load %arg8[%swap3A_155] {strides = array<i32>} : memref<512xf32, #tpu.memory_space<vmem>>, vector<16xf32>,
    %swap3A_157 = vector.shape_cast %swap3A_156 : vector<16xf32> to vector<16xf32>
    %swap3A_158 = vector.shape_cast %gather3A_46 : vector<16xf32> to vector<16xf32>
    tpu.vector_store %arg8[%swap3A_155], %swap3A_158 {strides = array<i32>} : memref<512xf32, #tpu.memory_space<vmem>>, vector<16xf32>,
    %swap3A_159 = arith.constant 448 : index
    %swap3A_160 = tpu.vector_load %arg8[%swap3A_159] {strides = array<i32>} : memref<512xf32, #tpu.memory_space<vmem>>, vector<16xf32>,
    %swap3A_161 = vector.shape_cast %swap3A_160 : vector<16xf32> to vector<16xf32>
    %swap3A_162 = vector.shape_cast %gather3A_46 : vector<16xf32> to vector<16xf32>
    tpu.vector_store %arg8[%swap3A_159], %swap3A_162 {strides = array<i32>} : memref<512xf32, #tpu.memory_space<vmem>>, vector<16xf32>,
    %swap3A_163 = arith.constant 464 : index
    %swap3A_164 = tpu.vector_load %arg8[%swap3A_163] {strides = array<i32>} : memref<512xf32, #tpu.memory_space<vmem>>, vector<16xf32>,
    %swap3A_165 = vector.shape_cast %swap3A_164 : vector<16xf32> to vector<16xf32>
    %swap3A_166 = vector.shape_cast %gather3A_46 : vector<16xf32> to vector<16xf32>
    tpu.vector_store %arg8[%swap3A_163], %swap3A_166 {strides = array<i32>} : memref<512xf32, #tpu.memory_space<vmem>>, vector<16xf32>,
    %swap3A_167 = arith.constant 480 : index
    %swap3A_168 = tpu.vector_load %arg8[%swap3A_167] {strides = array<i32>} : memref<512xf32, #tpu.memory_space<vmem>>, vector<16xf32>,
    %swap3A_169 = vector.shape_cast %swap3A_168 : vector<16xf32> to vector<16xf32>
    %swap3A_170 = vector.shape_cast %gather3A_46 : vector<16xf32> to vector<16xf32>
    tpu.vector_store %arg8[%swap3A_167], %swap3A_170 {strides = array<i32>} : memref<512xf32, #tpu.memory_space<vmem>>, vector<16xf32>,
    %swap3A_171 = arith.constant 496 : index
    %swap3A_172 = tpu.vector_load %arg8[%swap3A_171] {strides = array<i32>} : memref<512xf32, #tpu.memory_space<vmem>>, vector<16xf32>,
    %swap3A_173 = vector.shape_cast %swap3A_172 : vector<16xf32> to vector<16xf32>
    %swap3A_174 = vector.shape_cast %gather3A_46 : vector<16xf32> to vector<16xf32>
    tpu.vector_store %arg8[%swap3A_171], %swap3A_174 {strides = array<i32>} : memref<512xf32, #tpu.memory_space<vmem>>, vector<16xf32>,
    %barrier3A = arith.constant 0 : index
    tpu.barrier barrier_id(%barrier3A)
    %mul3A_175 = arith.constant 512 : i32
    %mul3A_176 = arith.muli %add3A, %mul3A_175 : i32
    %dma_wait3A = arith.constant 0 : i32
    %dma_wait3A_177 = arith.constant 0 : i32
    %dma_wait3A_178 = arith.constant 0 : i32
    %dma_wait3A_179 = tpu.memref_slice %arg7[%dma_wait3A, %dma_wait3A_177, %dma_wait3A_178] : memref<3x40x512xi32, #tpu.memory_space<vmem>> -> memref<1x40x512xi32, #tpu.memory_space<vmem>>
    %dma_wait3A_180 = tpu.memref_squeeze %dma_wait3A_179 : memref<1x40x512xi32, #tpu.memory_space<vmem>> -> memref<40x512xi32, #tpu.memory_space<vmem>>
    %dma_wait3A_181 = arith.constant 0 : i32
    %dma_wait3A_182 = tpu.memref_slice %arg2[%dma_wait3A_181, %mul3A_176] : memref<200x16384xi32, #tpu.memory_space<hbm>> -> memref<40x512xi32, #tpu.memory_space<hbm>>
    %dma_wait3A_183 = arith.constant 0 : i32
    %dma_wait3A_184 = arith.constant 0 : i32
    %dma_wait3A_185 = tpu.memref_slice %arg7[%dma_wait3A, %dma_wait3A_183, %dma_wait3A_184] : memref<3x40x512xi32, #tpu.memory_space<vmem>> -> memref<1x40x512xi32, #tpu.memory_space<vmem>>
    %dma_wait3A_186 = tpu.memref_squeeze %dma_wait3A_185 : memref<1x40x512xi32, #tpu.memory_space<vmem>> -> memref<40x512xi32, #tpu.memory_space<vmem>>
    %dma_wait3A_187 = arith.constant 0 : i32
    %dma_wait3A_188 = tpu.memref_slice %arg2[%dma_wait3A_187, %mul3A_176] : memref<200x16384xi32, #tpu.memory_space<hbm>> -> memref<40x512xi32, #tpu.memory_space<hbm>>
    tpu.wait_dma2 semaphore(%arg10 : memref<!tpu.dma_semaphore, #tpu.memory_space<semaphore_mem>>) src(%dma_wait3A_188 : memref<40x512xi32, #tpu.memory_space<hbm>>) dst(%dma_wait3A_186 : memref<40x512xi32, #tpu.memory_space<vmem>>)
    %scan3A = arith.constant 0 : i32
    %scan3A_189 = arith.constant 0 : i32
    %scan3A_190 = arith.constant 40 : i32
    %scan3A_191 = arith.addi %scan3A_189, %scan3A_190 : i32
    %scan3A_192 = arith.constant 1 : i32
    scf.for %scan3A_355 = %scan3A_189 to %scan3A_191 step %scan3A_192  : i32 {
      %dma_start3A_356 = arith.constant 0 : i32
      %dma_start3A_357 = arith.constant 0 : i32
      %dma_start3A_358 = tpu.memref_slice %arg8[%dma_start3A_357] : memref<512xf32, #tpu.memory_space<vmem>> -> memref<128xf32, #tpu.memory_space<vmem>>
      %dma_start3A_359 = arith.constant 0 : i32
      %dma_start3A_360 = tpu.memref_slice %arg7[%dma_start3A_356, %scan3A_355, %dma_start3A_359] : memref<3x40x512xi32, #tpu.memory_space<vmem>> -> memref<1x1x128xi32, #tpu.memory_space<vmem>>
      %dma_start3A_361 = tpu.memref_squeeze %dma_start3A_360 : memref<1x1x128xi32, #tpu.memory_space<vmem>> -> memref<128xi32, #tpu.memory_space<vmem>>
      %dma_start3A_362 = arith.constant 0 : i32
      %dma_start3A_363 = tpu.memref_slice %arg6[%dma_start3A_362] : memref<1000000xf32, #tpu.memory_space<vmem_shared>> -> memref<1000000xf32, #tpu.memory_space<vmem_shared>>
      tpu.enqueue_indirect_dma source(%dma_start3A_363 : memref<1000000xf32, #tpu.memory_space<vmem_shared>>) target(%dma_start3A_358 : memref<128xf32, #tpu.memory_space<vmem>>) offsets(%dma_start3A_361 : memref<128xi32, #tpu.memory_space<vmem>>) semaphore(%arg15 : memref<!tpu.dma_semaphore, #tpu.memory_space<semaphore_mem>>) {add = true}
      %dma_start3A_364 = arith.constant 0 : i32
      %dma_start3A_365 = arith.constant 128 : i32
      %dma_start3A_366 = tpu.memref_slice %arg8[%dma_start3A_365] : memref<512xf32, #tpu.memory_space<vmem>> -> memref<128xf32, #tpu.memory_space<vmem>>
      %dma_start3A_367 = arith.constant 128 : i32
      %dma_start3A_368 = tpu.memref_slice %arg7[%dma_start3A_364, %scan3A_355, %dma_start3A_367] : memref<3x40x512xi32, #tpu.memory_space<vmem>> -> memref<1x1x128xi32, #tpu.memory_space<vmem>>
      %dma_start3A_369 = tpu.memref_squeeze %dma_start3A_368 : memref<1x1x128xi32, #tpu.memory_space<vmem>> -> memref<128xi32, #tpu.memory_space<vmem>>
      %dma_start3A_370 = arith.constant 0 : i32
      %dma_start3A_371 = tpu.memref_slice %arg6[%dma_start3A_370] : memref<1000000xf32, #tpu.memory_space<vmem_shared>> -> memref<1000000xf32, #tpu.memory_space<vmem_shared>>
      tpu.enqueue_indirect_dma source(%dma_start3A_371 : memref<1000000xf32, #tpu.memory_space<vmem_shared>>) target(%dma_start3A_366 : memref<128xf32, #tpu.memory_space<vmem>>) offsets(%dma_start3A_369 : memref<128xi32, #tpu.memory_space<vmem>>) semaphore(%arg15 : memref<!tpu.dma_semaphore, #tpu.memory_space<semaphore_mem>>) {add = true}
      %dma_start3A_372 = arith.constant 0 : i32
      %dma_start3A_373 = arith.constant 256 : i32
      %dma_start3A_374 = tpu.memref_slice %arg8[%dma_start3A_373] : memref<512xf32, #tpu.memory_space<vmem>> -> memref<128xf32, #tpu.memory_space<vmem>>
      %dma_start3A_375 = arith.constant 256 : i32
      %dma_start3A_376 = tpu.memref_slice %arg7[%dma_start3A_372, %scan3A_355, %dma_start3A_375] : memref<3x40x512xi32, #tpu.memory_space<vmem>> -> memref<1x1x128xi32, #tpu.memory_space<vmem>>
      %dma_start3A_377 = tpu.memref_squeeze %dma_start3A_376 : memref<1x1x128xi32, #tpu.memory_space<vmem>> -> memref<128xi32, #tpu.memory_space<vmem>>
      %dma_start3A_378 = arith.constant 0 : i32
      %dma_start3A_379 = tpu.memref_slice %arg6[%dma_start3A_378] : memref<1000000xf32, #tpu.memory_space<vmem_shared>> -> memref<1000000xf32, #tpu.memory_space<vmem_shared>>
      tpu.enqueue_indirect_dma source(%dma_start3A_379 : memref<1000000xf32, #tpu.memory_space<vmem_shared>>) target(%dma_start3A_374 : memref<128xf32, #tpu.memory_space<vmem>>) offsets(%dma_start3A_377 : memref<128xi32, #tpu.memory_space<vmem>>) semaphore(%arg15 : memref<!tpu.dma_semaphore, #tpu.memory_space<semaphore_mem>>) {add = true}
      %dma_start3A_380 = arith.constant 0 : i32
      %dma_start3A_381 = arith.constant 384 : i32
      %dma_start3A_382 = tpu.memref_slice %arg8[%dma_start3A_381] : memref<512xf32, #tpu.memory_space<vmem>> -> memref<128xf32, #tpu.memory_space<vmem>>
      %dma_start3A_383 = arith.constant 384 : i32
      %dma_start3A_384 = tpu.memref_slice %arg7[%dma_start3A_380, %scan3A_355, %dma_start3A_383] : memref<3x40x512xi32, #tpu.memory_space<vmem>> -> memref<1x1x128xi32, #tpu.memory_space<vmem>>
      %dma_start3A_385 = tpu.memref_squeeze %dma_start3A_384 : memref<1x1x128xi32, #tpu.memory_space<vmem>> -> memref<128xi32, #tpu.memory_space<vmem>>
      %dma_start3A_386 = arith.constant 0 : i32
      %dma_start3A_387 = tpu.memref_slice %arg6[%dma_start3A_386] : memref<1000000xf32, #tpu.memory_space<vmem_shared>> -> memref<1000000xf32, #tpu.memory_space<vmem_shared>>
      tpu.enqueue_indirect_dma source(%dma_start3A_387 : memref<1000000xf32, #tpu.memory_space<vmem_shared>>) target(%dma_start3A_382 : memref<128xf32, #tpu.memory_space<vmem>>) offsets(%dma_start3A_385 : memref<128xi32, #tpu.memory_space<vmem>>) semaphore(%arg15 : memref<!tpu.dma_semaphore, #tpu.memory_space<semaphore_mem>>) {add = true}
    }
    %scan3A_193 = arith.constant 40 : i32
    %mul3A_194 = arith.constant 512 : i32
    %mul3A_195 = arith.muli %add3A, %mul3A_194 : i32
    %dma_start3A_196 = arith.constant 2 : i32
    %dma_start3A_197 = arith.constant 0 : i32
    %dma_start3A_198 = arith.constant 0 : i32
    %dma_start3A_199 = tpu.memref_slice %arg7[%dma_start3A_196, %dma_start3A_197, %dma_start3A_198] : memref<3x40x512xi32, #tpu.memory_space<vmem>> -> memref<1x40x512xi32, #tpu.memory_space<vmem>>
    %dma_start3A_200 = tpu.memref_squeeze %dma_start3A_199 : memref<1x40x512xi32, #tpu.memory_space<vmem>> -> memref<40x512xi32, #tpu.memory_space<vmem>>
    %dma_start3A_201 = arith.constant 80 : i32
    %dma_start3A_202 = tpu.memref_slice %arg2[%dma_start3A_201, %mul3A_195] : memref<200x16384xi32, #tpu.memory_space<hbm>> -> memref<40x512xi32, #tpu.memory_space<hbm>>
    %dma_start3A_203 = arith.constant 0 : i32
    %dma_start3A_204 = arith.constant 0 : i32
    %dma_start3A_205 = tpu.memref_slice %arg7[%dma_start3A_196, %dma_start3A_203, %dma_start3A_204] : memref<3x40x512xi32, #tpu.memory_space<vmem>> -> memref<1x40x512xi32, #tpu.memory_space<vmem>>
    %dma_start3A_206 = tpu.memref_squeeze %dma_start3A_205 : memref<1x40x512xi32, #tpu.memory_space<vmem>> -> memref<40x512xi32, #tpu.memory_space<vmem>>
    %dma_start3A_207 = arith.constant 80 : i32
    %dma_start3A_208 = tpu.memref_slice %arg2[%dma_start3A_207, %mul3A_195] : memref<200x16384xi32, #tpu.memory_space<hbm>> -> memref<40x512xi32, #tpu.memory_space<hbm>>
    tpu.enqueue_dma source(%dma_start3A_208 : memref<40x512xi32, #tpu.memory_space<hbm>>) target(%dma_start3A_206 : memref<40x512xi32, #tpu.memory_space<vmem>>) target_semaphore(%arg12 : memref<!tpu.dma_semaphore, #tpu.memory_space<semaphore_mem>>)
    %mul3A_209 = arith.constant 512 : i32
    %mul3A_210 = arith.muli %add3A, %mul3A_209 : i32
    %dma_wait3A_211 = arith.constant 1 : i32
    %dma_wait3A_212 = arith.constant 0 : i32
    %dma_wait3A_213 = arith.constant 0 : i32
    %dma_wait3A_214 = tpu.memref_slice %arg7[%dma_wait3A_211, %dma_wait3A_212, %dma_wait3A_213] : memref<3x40x512xi32, #tpu.memory_space<vmem>> -> memref<1x40x512xi32, #tpu.memory_space<vmem>>
    %dma_wait3A_215 = tpu.memref_squeeze %dma_wait3A_214 : memref<1x40x512xi32, #tpu.memory_space<vmem>> -> memref<40x512xi32, #tpu.memory_space<vmem>>
    %dma_wait3A_216 = arith.constant 40 : i32
    %dma_wait3A_217 = tpu.memref_slice %arg2[%dma_wait3A_216, %mul3A_210] : memref<200x16384xi32, #tpu.memory_space<hbm>> -> memref<40x512xi32, #tpu.memory_space<hbm>>
    %dma_wait3A_218 = arith.constant 0 : i32
    %dma_wait3A_219 = arith.constant 0 : i32
    %dma_wait3A_220 = tpu.memref_slice %arg7[%dma_wait3A_211, %dma_wait3A_218, %dma_wait3A_219] : memref<3x40x512xi32, #tpu.memory_space<vmem>> -> memref<1x40x512xi32, #tpu.memory_space<vmem>>
    %dma_wait3A_221 = tpu.memref_squeeze %dma_wait3A_220 : memref<1x40x512xi32, #tpu.memory_space<vmem>> -> memref<40x512xi32, #tpu.memory_space<vmem>>
    %dma_wait3A_222 = arith.constant 40 : i32
    %dma_wait3A_223 = tpu.memref_slice %arg2[%dma_wait3A_222, %mul3A_210] : memref<200x16384xi32, #tpu.memory_space<hbm>> -> memref<40x512xi32, #tpu.memory_space<hbm>>
    tpu.wait_dma2 semaphore(%arg11 : memref<!tpu.dma_semaphore, #tpu.memory_space<semaphore_mem>>) src(%dma_wait3A_223 : memref<40x512xi32, #tpu.memory_space<hbm>>) dst(%dma_wait3A_221 : memref<40x512xi32, #tpu.memory_space<vmem>>)
    %scan3A_224 = arith.constant 0 : i32
    %scan3A_225 = arith.constant 0 : i32
    %scan3A_226 = arith.constant 40 : i32
    %scan3A_227 = arith.addi %scan3A_225, %scan3A_226 : i32
    %scan3A_228 = arith.constant 1 : i32
    scf.for %scan3A_355 = %scan3A_225 to %scan3A_227 step %scan3A_228  : i32 {
      %dma_start3A_356 = arith.constant 1 : i32
      %dma_start3A_357 = arith.constant 0 : i32
      %dma_start3A_358 = tpu.memref_slice %arg8[%dma_start3A_357] : memref<512xf32, #tpu.memory_space<vmem>> -> memref<128xf32, #tpu.memory_space<vmem>>
      %dma_start3A_359 = arith.constant 0 : i32
      %dma_start3A_360 = tpu.memref_slice %arg7[%dma_start3A_356, %scan3A_355, %dma_start3A_359] : memref<3x40x512xi32, #tpu.memory_space<vmem>> -> memref<1x1x128xi32, #tpu.memory_space<vmem>>
      %dma_start3A_361 = tpu.memref_squeeze %dma_start3A_360 : memref<1x1x128xi32, #tpu.memory_space<vmem>> -> memref<128xi32, #tpu.memory_space<vmem>>
      %dma_start3A_362 = arith.constant 0 : i32
      %dma_start3A_363 = tpu.memref_slice %arg6[%dma_start3A_362] : memref<1000000xf32, #tpu.memory_space<vmem_shared>> -> memref<1000000xf32, #tpu.memory_space<vmem_shared>>
      tpu.enqueue_indirect_dma source(%dma_start3A_363 : memref<1000000xf32, #tpu.memory_space<vmem_shared>>) target(%dma_start3A_358 : memref<128xf32, #tpu.memory_space<vmem>>) offsets(%dma_start3A_361 : memref<128xi32, #tpu.memory_space<vmem>>) semaphore(%arg15 : memref<!tpu.dma_semaphore, #tpu.memory_space<semaphore_mem>>) {add = true}
      %dma_start3A_364 = arith.constant 1 : i32
      %dma_start3A_365 = arith.constant 128 : i32
      %dma_start3A_366 = tpu.memref_slice %arg8[%dma_start3A_365] : memref<512xf32, #tpu.memory_space<vmem>> -> memref<128xf32, #tpu.memory_space<vmem>>
      %dma_start3A_367 = arith.constant 128 : i32
      %dma_start3A_368 = tpu.memref_slice %arg7[%dma_start3A_364, %scan3A_355, %dma_start3A_367] : memref<3x40x512xi32, #tpu.memory_space<vmem>> -> memref<1x1x128xi32, #tpu.memory_space<vmem>>
      %dma_start3A_369 = tpu.memref_squeeze %dma_start3A_368 : memref<1x1x128xi32, #tpu.memory_space<vmem>> -> memref<128xi32, #tpu.memory_space<vmem>>
      %dma_start3A_370 = arith.constant 0 : i32
      %dma_start3A_371 = tpu.memref_slice %arg6[%dma_start3A_370] : memref<1000000xf32, #tpu.memory_space<vmem_shared>> -> memref<1000000xf32, #tpu.memory_space<vmem_shared>>
      tpu.enqueue_indirect_dma source(%dma_start3A_371 : memref<1000000xf32, #tpu.memory_space<vmem_shared>>) target(%dma_start3A_366 : memref<128xf32, #tpu.memory_space<vmem>>) offsets(%dma_start3A_369 : memref<128xi32, #tpu.memory_space<vmem>>) semaphore(%arg15 : memref<!tpu.dma_semaphore, #tpu.memory_space<semaphore_mem>>) {add = true}
      %dma_start3A_372 = arith.constant 1 : i32
      %dma_start3A_373 = arith.constant 256 : i32
      %dma_start3A_374 = tpu.memref_slice %arg8[%dma_start3A_373] : memref<512xf32, #tpu.memory_space<vmem>> -> memref<128xf32, #tpu.memory_space<vmem>>
      %dma_start3A_375 = arith.constant 256 : i32
      %dma_start3A_376 = tpu.memref_slice %arg7[%dma_start3A_372, %scan3A_355, %dma_start3A_375] : memref<3x40x512xi32, #tpu.memory_space<vmem>> -> memref<1x1x128xi32, #tpu.memory_space<vmem>>
      %dma_start3A_377 = tpu.memref_squeeze %dma_start3A_376 : memref<1x1x128xi32, #tpu.memory_space<vmem>> -> memref<128xi32, #tpu.memory_space<vmem>>
      %dma_start3A_378 = arith.constant 0 : i32
      %dma_start3A_379 = tpu.memref_slice %arg6[%dma_start3A_378] : memref<1000000xf32, #tpu.memory_space<vmem_shared>> -> memref<1000000xf32, #tpu.memory_space<vmem_shared>>
      tpu.enqueue_indirect_dma source(%dma_start3A_379 : memref<1000000xf32, #tpu.memory_space<vmem_shared>>) target(%dma_start3A_374 : memref<128xf32, #tpu.memory_space<vmem>>) offsets(%dma_start3A_377 : memref<128xi32, #tpu.memory_space<vmem>>) semaphore(%arg15 : memref<!tpu.dma_semaphore, #tpu.memory_space<semaphore_mem>>) {add = true}
      %dma_start3A_380 = arith.constant 1 : i32
      %dma_start3A_381 = arith.constant 384 : i32
      %dma_start3A_382 = tpu.memref_slice %arg8[%dma_start3A_381] : memref<512xf32, #tpu.memory_space<vmem>> -> memref<128xf32, #tpu.memory_space<vmem>>
      %dma_start3A_383 = arith.constant 384 : i32
      %dma_start3A_384 = tpu.memref_slice %arg7[%dma_start3A_380, %scan3A_355, %dma_start3A_383] : memref<3x40x512xi32, #tpu.memory_space<vmem>> -> memref<1x1x128xi32, #tpu.memory_space<vmem>>
      %dma_start3A_385 = tpu.memref_squeeze %dma_start3A_384 : memref<1x1x128xi32, #tpu.memory_space<vmem>> -> memref<128xi32, #tpu.memory_space<vmem>>
      %dma_start3A_386 = arith.constant 0 : i32
      %dma_start3A_387 = tpu.memref_slice %arg6[%dma_start3A_386] : memref<1000000xf32, #tpu.memory_space<vmem_shared>> -> memref<1000000xf32, #tpu.memory_space<vmem_shared>>
      tpu.enqueue_indirect_dma source(%dma_start3A_387 : memref<1000000xf32, #tpu.memory_space<vmem_shared>>) target(%dma_start3A_382 : memref<128xf32, #tpu.memory_space<vmem>>) offsets(%dma_start3A_385 : memref<128xi32, #tpu.memory_space<vmem>>) semaphore(%arg15 : memref<!tpu.dma_semaphore, #tpu.memory_space<semaphore_mem>>) {add = true}
    }
    %scan3A_229 = arith.constant 40 : i32
    %scan3A_230 = arith.constant 0 : i32
    %scan3A_231 = arith.constant 0 : i32
    %scan3A_232 = arith.constant 40 : i32
    %scan3A_233 = arith.addi %scan3A_231, %scan3A_232 : i32
    %scan3A_234 = arith.constant 1 : i32
    scf.for %scan3A_355 = %scan3A_231 to %scan3A_233 step %scan3A_234  : i32 {
      %dma_wait3A_356 = arith.constant 0 : i32
      %dma_wait3A_357 = arith.constant 0 : i32
      %dma_wait3A_358 = tpu.memref_slice %arg8[%dma_wait3A_357] : memref<512xf32, #tpu.memory_space<vmem>> -> memref<128xf32, #tpu.memory_space<vmem>>
      %dma_wait3A_359 = arith.constant 0 : i32
      %dma_wait3A_360 = tpu.memref_slice %arg7[%dma_wait3A_356, %scan3A_355, %dma_wait3A_359] : memref<3x40x512xi32, #tpu.memory_space<vmem>> -> memref<1x1x128xi32, #tpu.memory_space<vmem>>
      %dma_wait3A_361 = tpu.memref_squeeze %dma_wait3A_360 : memref<1x1x128xi32, #tpu.memory_space<vmem>> -> memref<128xi32, #tpu.memory_space<vmem>>
      %dma_wait3A_362 = arith.constant 0 : i32
      %dma_wait3A_363 = tpu.memref_slice %arg6[%dma_wait3A_362] : memref<1000000xf32, #tpu.memory_space<vmem_shared>> -> memref<1000000xf32, #tpu.memory_space<vmem_shared>>
      tpu.wait_indirect_dma semaphore(%arg15 : memref<!tpu.dma_semaphore, #tpu.memory_space<semaphore_mem>>) src(%dma_wait3A_363 : memref<1000000xf32, #tpu.memory_space<vmem_shared>>) dst(%dma_wait3A_358 : memref<128xf32, #tpu.memory_space<vmem>>)
      %dma_wait3A_364 = arith.constant 0 : i32
      %dma_wait3A_365 = arith.constant 128 : i32
      %dma_wait3A_366 = tpu.memref_slice %arg8[%dma_wait3A_365] : memref<512xf32, #tpu.memory_space<vmem>> -> memref<128xf32, #tpu.memory_space<vmem>>
      %dma_wait3A_367 = arith.constant 128 : i32
      %dma_wait3A_368 = tpu.memref_slice %arg7[%dma_wait3A_364, %scan3A_355, %dma_wait3A_367] : memref<3x40x512xi32, #tpu.memory_space<vmem>> -> memref<1x1x128xi32, #tpu.memory_space<vmem>>
      %dma_wait3A_369 = tpu.memref_squeeze %dma_wait3A_368 : memref<1x1x128xi32, #tpu.memory_space<vmem>> -> memref<128xi32, #tpu.memory_space<vmem>>
      %dma_wait3A_370 = arith.constant 0 : i32
      %dma_wait3A_371 = tpu.memref_slice %arg6[%dma_wait3A_370] : memref<1000000xf32, #tpu.memory_space<vmem_shared>> -> memref<1000000xf32, #tpu.memory_space<vmem_shared>>
      tpu.wait_indirect_dma semaphore(%arg15 : memref<!tpu.dma_semaphore, #tpu.memory_space<semaphore_mem>>) src(%dma_wait3A_371 : memref<1000000xf32, #tpu.memory_space<vmem_shared>>) dst(%dma_wait3A_366 : memref<128xf32, #tpu.memory_space<vmem>>)
      %dma_wait3A_372 = arith.constant 0 : i32
      %dma_wait3A_373 = arith.constant 256 : i32
      %dma_wait3A_374 = tpu.memref_slice %arg8[%dma_wait3A_373] : memref<512xf32, #tpu.memory_space<vmem>> -> memref<128xf32, #tpu.memory_space<vmem>>
      %dma_wait3A_375 = arith.constant 256 : i32
      %dma_wait3A_376 = tpu.memref_slice %arg7[%dma_wait3A_372, %scan3A_355, %dma_wait3A_375] : memref<3x40x512xi32, #tpu.memory_space<vmem>> -> memref<1x1x128xi32, #tpu.memory_space<vmem>>
      %dma_wait3A_377 = tpu.memref_squeeze %dma_wait3A_376 : memref<1x1x128xi32, #tpu.memory_space<vmem>> -> memref<128xi32, #tpu.memory_space<vmem>>
      %dma_wait3A_378 = arith.constant 0 : i32
      %dma_wait3A_379 = tpu.memref_slice %arg6[%dma_wait3A_378] : memref<1000000xf32, #tpu.memory_space<vmem_shared>> -> memref<1000000xf32, #tpu.memory_space<vmem_shared>>
      tpu.wait_indirect_dma semaphore(%arg15 : memref<!tpu.dma_semaphore, #tpu.memory_space<semaphore_mem>>) src(%dma_wait3A_379 : memref<1000000xf32, #tpu.memory_space<vmem_shared>>) dst(%dma_wait3A_374 : memref<128xf32, #tpu.memory_space<vmem>>)
      %dma_wait3A_380 = arith.constant 0 : i32
      %dma_wait3A_381 = arith.constant 384 : i32
      %dma_wait3A_382 = tpu.memref_slice %arg8[%dma_wait3A_381] : memref<512xf32, #tpu.memory_space<vmem>> -> memref<128xf32, #tpu.memory_space<vmem>>
      %dma_wait3A_383 = arith.constant 384 : i32
      %dma_wait3A_384 = tpu.memref_slice %arg7[%dma_wait3A_380, %scan3A_355, %dma_wait3A_383] : memref<3x40x512xi32, #tpu.memory_space<vmem>> -> memref<1x1x128xi32, #tpu.memory_space<vmem>>
      %dma_wait3A_385 = tpu.memref_squeeze %dma_wait3A_384 : memref<1x1x128xi32, #tpu.memory_space<vmem>> -> memref<128xi32, #tpu.memory_space<vmem>>
      %dma_wait3A_386 = arith.constant 0 : i32
      %dma_wait3A_387 = tpu.memref_slice %arg6[%dma_wait3A_386] : memref<1000000xf32, #tpu.memory_space<vmem_shared>> -> memref<1000000xf32, #tpu.memory_space<vmem_shared>>
      tpu.wait_indirect_dma semaphore(%arg15 : memref<!tpu.dma_semaphore, #tpu.memory_space<semaphore_mem>>) src(%dma_wait3A_387 : memref<1000000xf32, #tpu.memory_space<vmem_shared>>) dst(%dma_wait3A_382 : memref<128xf32, #tpu.memory_space<vmem>>)
    }
    %scan3A_235 = arith.constant 40 : i32
    %mul3A_236 = arith.constant 512 : i32
    %mul3A_237 = arith.muli %add3A, %mul3A_236 : i32
    %dma_start3A_238 = arith.constant 0 : i32
    %dma_start3A_239 = arith.constant 0 : i32
    %dma_start3A_240 = arith.constant 0 : i32
    %dma_start3A_241 = tpu.memref_slice %arg7[%dma_start3A_238, %dma_start3A_239, %dma_start3A_240] : memref<3x40x512xi32, #tpu.memory_space<vmem>> -> memref<1x40x512xi32, #tpu.memory_space<vmem>>
    %dma_start3A_242 = tpu.memref_squeeze %dma_start3A_241 : memref<1x40x512xi32, #tpu.memory_space<vmem>> -> memref<40x512xi32, #tpu.memory_space<vmem>>
    %dma_start3A_243 = arith.constant 120 : i32
    %dma_start3A_244 = tpu.memref_slice %arg2[%dma_start3A_243, %mul3A_237] : memref<200x16384xi32, #tpu.memory_space<hbm>> -> memref<40x512xi32, #tpu.memory_space<hbm>>
    %dma_start3A_245 = arith.constant 0 : i32
    %dma_start3A_246 = arith.constant 0 : i32
    %dma_start3A_247 = tpu.memref_slice %arg7[%dma_start3A_238, %dma_start3A_245, %dma_start3A_246] : memref<3x40x512xi32, #tpu.memory_space<vmem>> -> memref<1x40x512xi32, #tpu.memory_space<vmem>>
    %dma_start3A_248 = tpu.memref_squeeze %dma_start3A_247 : memref<1x40x512xi32, #tpu.memory_space<vmem>> -> memref<40x512xi32, #tpu.memory_space<vmem>>
    %dma_start3A_249 = arith.constant 120 : i32
    %dma_start3A_250 = tpu.memref_slice %arg2[%dma_start3A_249, %mul3A_237] : memref<200x16384xi32, #tpu.memory_space<hbm>> -> memref<40x512xi32, #tpu.memory_space<hbm>>
    tpu.enqueue_dma source(%dma_start3A_250 : memref<40x512xi32, #tpu.memory_space<hbm>>) target(%dma_start3A_248 : memref<40x512xi32, #tpu.memory_space<vmem>>) target_semaphore(%arg13 : memref<!tpu.dma_semaphore, #tpu.memory_space<semaphore_mem>>)
    %mul3A_251 = arith.constant 512 : i32
    %mul3A_252 = arith.muli %add3A, %mul3A_251 : i32
    %dma_wait3A_253 = arith.constant 2 : i32
    %dma_wait3A_254 = arith.constant 0 : i32
    %dma_wait3A_255 = arith.constant 0 : i32
    %dma_wait3A_256 = tpu.memref_slice %arg7[%dma_wait3A_253, %dma_wait3A_254, %dma_wait3A_255] : memref<3x40x512xi32, #tpu.memory_space<vmem>> -> memref<1x40x512xi32, #tpu.memory_space<vmem>>
    %dma_wait3A_257 = tpu.memref_squeeze %dma_wait3A_256 : memref<1x40x512xi32, #tpu.memory_space<vmem>> -> memref<40x512xi32, #tpu.memory_space<vmem>>
    %dma_wait3A_258 = arith.constant 80 : i32
    %dma_wait3A_259 = tpu.memref_slice %arg2[%dma_wait3A_258, %mul3A_252] : memref<200x16384xi32, #tpu.memory_space<hbm>> -> memref<40x512xi32, #tpu.memory_space<hbm>>
    %dma_wait3A_260 = arith.constant 0 : i32
    %dma_wait3A_261 = arith.constant 0 : i32
    %dma_wait3A_262 = tpu.memref_slice %arg7[%dma_wait3A_253, %dma_wait3A_260, %dma_wait3A_261] : memref<3x40x512xi32, #tpu.memory_space<vmem>> -> memref<1x40x512xi32, #tpu.memory_space<vmem>>
    %dma_wait3A_263 = tpu.memref_squeeze %dma_wait3A_262 : memref<1x40x512xi32, #tpu.memory_space<vmem>> -> memref<40x512xi32, #tpu.memory_space<vmem>>
    %dma_wait3A_264 = arith.constant 80 : i32
    %dma_wait3A_265 = tpu.memref_slice %arg2[%dma_wait3A_264, %mul3A_252] : memref<200x16384xi32, #tpu.memory_space<hbm>> -> memref<40x512xi32, #tpu.memory_space<hbm>>
    tpu.wait_dma2 semaphore(%arg12 : memref<!tpu.dma_semaphore, #tpu.memory_space<semaphore_mem>>) src(%dma_wait3A_265 : memref<40x512xi32, #tpu.memory_space<hbm>>) dst(%dma_wait3A_263 : memref<40x512xi32, #tpu.memory_space<vmem>>)
    %scan3A_266 = arith.constant 0 : i32
    %scan3A_267 = arith.constant 0 : i32
    %scan3A_268 = arith.constant 40 : i32
    %scan3A_269 = arith.addi %scan3A_267, %scan3A_268 : i32
    %scan3A_270 = arith.constant 1 : i32
    scf.for %scan3A_355 = %scan3A_267 to %scan3A_269 step %scan3A_270  : i32 {
      %dma_start3A_356 = arith.constant 2 : i32
      %dma_start3A_357 = arith.constant 0 : i32
      %dma_start3A_358 = tpu.memref_slice %arg8[%dma_start3A_357] : memref<512xf32, #tpu.memory_space<vmem>> -> memref<128xf32, #tpu.memory_space<vmem>>
      %dma_start3A_359 = arith.constant 0 : i32
      %dma_start3A_360 = tpu.memref_slice %arg7[%dma_start3A_356, %scan3A_355, %dma_start3A_359] : memref<3x40x512xi32, #tpu.memory_space<vmem>> -> memref<1x1x128xi32, #tpu.memory_space<vmem>>
      %dma_start3A_361 = tpu.memref_squeeze %dma_start3A_360 : memref<1x1x128xi32, #tpu.memory_space<vmem>> -> memref<128xi32, #tpu.memory_space<vmem>>
      %dma_start3A_362 = arith.constant 0 : i32
      %dma_start3A_363 = tpu.memref_slice %arg6[%dma_start3A_362] : memref<1000000xf32, #tpu.memory_space<vmem_shared>> -> memref<1000000xf32, #tpu.memory_space<vmem_shared>>
      tpu.enqueue_indirect_dma source(%dma_start3A_363 : memref<1000000xf32, #tpu.memory_space<vmem_shared>>) target(%dma_start3A_358 : memref<128xf32, #tpu.memory_space<vmem>>) offsets(%dma_start3A_361 : memref<128xi32, #tpu.memory_space<vmem>>) semaphore(%arg15 : memref<!tpu.dma_semaphore, #tpu.memory_space<semaphore_mem>>) {add = true}
      %dma_start3A_364 = arith.constant 2 : i32
      %dma_start3A_365 = arith.constant 128 : i32
      %dma_start3A_366 = tpu.memref_slice %arg8[%dma_start3A_365] : memref<512xf32, #tpu.memory_space<vmem>> -> memref<128xf32, #tpu.memory_space<vmem>>
      %dma_start3A_367 = arith.constant 128 : i32
      %dma_start3A_368 = tpu.memref_slice %arg7[%dma_start3A_364, %scan3A_355, %dma_start3A_367] : memref<3x40x512xi32, #tpu.memory_space<vmem>> -> memref<1x1x128xi32, #tpu.memory_space<vmem>>
      %dma_start3A_369 = tpu.memref_squeeze %dma_start3A_368 : memref<1x1x128xi32, #tpu.memory_space<vmem>> -> memref<128xi32, #tpu.memory_space<vmem>>
      %dma_start3A_370 = arith.constant 0 : i32
      %dma_start3A_371 = tpu.memref_slice %arg6[%dma_start3A_370] : memref<1000000xf32, #tpu.memory_space<vmem_shared>> -> memref<1000000xf32, #tpu.memory_space<vmem_shared>>
      tpu.enqueue_indirect_dma source(%dma_start3A_371 : memref<1000000xf32, #tpu.memory_space<vmem_shared>>) target(%dma_start3A_366 : memref<128xf32, #tpu.memory_space<vmem>>) offsets(%dma_start3A_369 : memref<128xi32, #tpu.memory_space<vmem>>) semaphore(%arg15 : memref<!tpu.dma_semaphore, #tpu.memory_space<semaphore_mem>>) {add = true}
      %dma_start3A_372 = arith.constant 2 : i32
      %dma_start3A_373 = arith.constant 256 : i32
      %dma_start3A_374 = tpu.memref_slice %arg8[%dma_start3A_373] : memref<512xf32, #tpu.memory_space<vmem>> -> memref<128xf32, #tpu.memory_space<vmem>>
      %dma_start3A_375 = arith.constant 256 : i32
      %dma_start3A_376 = tpu.memref_slice %arg7[%dma_start3A_372, %scan3A_355, %dma_start3A_375] : memref<3x40x512xi32, #tpu.memory_space<vmem>> -> memref<1x1x128xi32, #tpu.memory_space<vmem>>
      %dma_start3A_377 = tpu.memref_squeeze %dma_start3A_376 : memref<1x1x128xi32, #tpu.memory_space<vmem>> -> memref<128xi32, #tpu.memory_space<vmem>>
      %dma_start3A_378 = arith.constant 0 : i32
      %dma_start3A_379 = tpu.memref_slice %arg6[%dma_start3A_378] : memref<1000000xf32, #tpu.memory_space<vmem_shared>> -> memref<1000000xf32, #tpu.memory_space<vmem_shared>>
      tpu.enqueue_indirect_dma source(%dma_start3A_379 : memref<1000000xf32, #tpu.memory_space<vmem_shared>>) target(%dma_start3A_374 : memref<128xf32, #tpu.memory_space<vmem>>) offsets(%dma_start3A_377 : memref<128xi32, #tpu.memory_space<vmem>>) semaphore(%arg15 : memref<!tpu.dma_semaphore, #tpu.memory_space<semaphore_mem>>) {add = true}
      %dma_start3A_380 = arith.constant 2 : i32
      %dma_start3A_381 = arith.constant 384 : i32
      %dma_start3A_382 = tpu.memref_slice %arg8[%dma_start3A_381] : memref<512xf32, #tpu.memory_space<vmem>> -> memref<128xf32, #tpu.memory_space<vmem>>
      %dma_start3A_383 = arith.constant 384 : i32
      %dma_start3A_384 = tpu.memref_slice %arg7[%dma_start3A_380, %scan3A_355, %dma_start3A_383] : memref<3x40x512xi32, #tpu.memory_space<vmem>> -> memref<1x1x128xi32, #tpu.memory_space<vmem>>
      %dma_start3A_385 = tpu.memref_squeeze %dma_start3A_384 : memref<1x1x128xi32, #tpu.memory_space<vmem>> -> memref<128xi32, #tpu.memory_space<vmem>>
      %dma_start3A_386 = arith.constant 0 : i32
      %dma_start3A_387 = tpu.memref_slice %arg6[%dma_start3A_386] : memref<1000000xf32, #tpu.memory_space<vmem_shared>> -> memref<1000000xf32, #tpu.memory_space<vmem_shared>>
      tpu.enqueue_indirect_dma source(%dma_start3A_387 : memref<1000000xf32, #tpu.memory_space<vmem_shared>>) target(%dma_start3A_382 : memref<128xf32, #tpu.memory_space<vmem>>) offsets(%dma_start3A_385 : memref<128xi32, #tpu.memory_space<vmem>>) semaphore(%arg15 : memref<!tpu.dma_semaphore, #tpu.memory_space<semaphore_mem>>) {add = true}
    }
    %scan3A_271 = arith.constant 40 : i32
    %scan3A_272 = arith.constant 0 : i32
    %scan3A_273 = arith.constant 0 : i32
    %scan3A_274 = arith.constant 40 : i32
    %scan3A_275 = arith.addi %scan3A_273, %scan3A_274 : i32
    %scan3A_276 = arith.constant 1 : i32
    scf.for %scan3A_355 = %scan3A_273 to %scan3A_275 step %scan3A_276  : i32 {
      %dma_wait3A_356 = arith.constant 1 : i32
      %dma_wait3A_357 = arith.constant 0 : i32
      %dma_wait3A_358 = tpu.memref_slice %arg8[%dma_wait3A_357] : memref<512xf32, #tpu.memory_space<vmem>> -> memref<128xf32, #tpu.memory_space<vmem>>
      %dma_wait3A_359 = arith.constant 0 : i32
      %dma_wait3A_360 = tpu.memref_slice %arg7[%dma_wait3A_356, %scan3A_355, %dma_wait3A_359] : memref<3x40x512xi32, #tpu.memory_space<vmem>> -> memref<1x1x128xi32, #tpu.memory_space<vmem>>
      %dma_wait3A_361 = tpu.memref_squeeze %dma_wait3A_360 : memref<1x1x128xi32, #tpu.memory_space<vmem>> -> memref<128xi32, #tpu.memory_space<vmem>>
      %dma_wait3A_362 = arith.constant 0 : i32
      %dma_wait3A_363 = tpu.memref_slice %arg6[%dma_wait3A_362] : memref<1000000xf32, #tpu.memory_space<vmem_shared>> -> memref<1000000xf32, #tpu.memory_space<vmem_shared>>
      tpu.wait_indirect_dma semaphore(%arg15 : memref<!tpu.dma_semaphore, #tpu.memory_space<semaphore_mem>>) src(%dma_wait3A_363 : memref<1000000xf32, #tpu.memory_space<vmem_shared>>) dst(%dma_wait3A_358 : memref<128xf32, #tpu.memory_space<vmem>>)
      %dma_wait3A_364 = arith.constant 1 : i32
      %dma_wait3A_365 = arith.constant 128 : i32
      %dma_wait3A_366 = tpu.memref_slice %arg8[%dma_wait3A_365] : memref<512xf32, #tpu.memory_space<vmem>> -> memref<128xf32, #tpu.memory_space<vmem>>
      %dma_wait3A_367 = arith.constant 128 : i32
      %dma_wait3A_368 = tpu.memref_slice %arg7[%dma_wait3A_364, %scan3A_355, %dma_wait3A_367] : memref<3x40x512xi32, #tpu.memory_space<vmem>> -> memref<1x1x128xi32, #tpu.memory_space<vmem>>
      %dma_wait3A_369 = tpu.memref_squeeze %dma_wait3A_368 : memref<1x1x128xi32, #tpu.memory_space<vmem>> -> memref<128xi32, #tpu.memory_space<vmem>>
      %dma_wait3A_370 = arith.constant 0 : i32
      %dma_wait3A_371 = tpu.memref_slice %arg6[%dma_wait3A_370] : memref<1000000xf32, #tpu.memory_space<vmem_shared>> -> memref<1000000xf32, #tpu.memory_space<vmem_shared>>
      tpu.wait_indirect_dma semaphore(%arg15 : memref<!tpu.dma_semaphore, #tpu.memory_space<semaphore_mem>>) src(%dma_wait3A_371 : memref<1000000xf32, #tpu.memory_space<vmem_shared>>) dst(%dma_wait3A_366 : memref<128xf32, #tpu.memory_space<vmem>>)
      %dma_wait3A_372 = arith.constant 1 : i32
      %dma_wait3A_373 = arith.constant 256 : i32
      %dma_wait3A_374 = tpu.memref_slice %arg8[%dma_wait3A_373] : memref<512xf32, #tpu.memory_space<vmem>> -> memref<128xf32, #tpu.memory_space<vmem>>
      %dma_wait3A_375 = arith.constant 256 : i32
      %dma_wait3A_376 = tpu.memref_slice %arg7[%dma_wait3A_372, %scan3A_355, %dma_wait3A_375] : memref<3x40x512xi32, #tpu.memory_space<vmem>> -> memref<1x1x128xi32, #tpu.memory_space<vmem>>
      %dma_wait3A_377 = tpu.memref_squeeze %dma_wait3A_376 : memref<1x1x128xi32, #tpu.memory_space<vmem>> -> memref<128xi32, #tpu.memory_space<vmem>>
      %dma_wait3A_378 = arith.constant 0 : i32
      %dma_wait3A_379 = tpu.memref_slice %arg6[%dma_wait3A_378] : memref<1000000xf32, #tpu.memory_space<vmem_shared>> -> memref<1000000xf32, #tpu.memory_space<vmem_shared>>
      tpu.wait_indirect_dma semaphore(%arg15 : memref<!tpu.dma_semaphore, #tpu.memory_space<semaphore_mem>>) src(%dma_wait3A_379 : memref<1000000xf32, #tpu.memory_space<vmem_shared>>) dst(%dma_wait3A_374 : memref<128xf32, #tpu.memory_space<vmem>>)
      %dma_wait3A_380 = arith.constant 1 : i32
      %dma_wait3A_381 = arith.constant 384 : i32
      %dma_wait3A_382 = tpu.memref_slice %arg8[%dma_wait3A_381] : memref<512xf32, #tpu.memory_space<vmem>> -> memref<128xf32, #tpu.memory_space<vmem>>
      %dma_wait3A_383 = arith.constant 384 : i32
      %dma_wait3A_384 = tpu.memref_slice %arg7[%dma_wait3A_380, %scan3A_355, %dma_wait3A_383] : memref<3x40x512xi32, #tpu.memory_space<vmem>> -> memref<1x1x128xi32, #tpu.memory_space<vmem>>
      %dma_wait3A_385 = tpu.memref_squeeze %dma_wait3A_384 : memref<1x1x128xi32, #tpu.memory_space<vmem>> -> memref<128xi32, #tpu.memory_space<vmem>>
      %dma_wait3A_386 = arith.constant 0 : i32
      %dma_wait3A_387 = tpu.memref_slice %arg6[%dma_wait3A_386] : memref<1000000xf32, #tpu.memory_space<vmem_shared>> -> memref<1000000xf32, #tpu.memory_space<vmem_shared>>
      tpu.wait_indirect_dma semaphore(%arg15 : memref<!tpu.dma_semaphore, #tpu.memory_space<semaphore_mem>>) src(%dma_wait3A_387 : memref<1000000xf32, #tpu.memory_space<vmem_shared>>) dst(%dma_wait3A_382 : memref<128xf32, #tpu.memory_space<vmem>>)
    }
    %scan3A_277 = arith.constant 40 : i32
    %mul3A_278 = arith.constant 512 : i32
    %mul3A_279 = arith.muli %add3A, %mul3A_278 : i32
    %dma_start3A_280 = arith.constant 1 : i32
    %dma_start3A_281 = arith.constant 0 : i32
    %dma_start3A_282 = arith.constant 0 : i32
    %dma_start3A_283 = tpu.memref_slice %arg7[%dma_start3A_280, %dma_start3A_281, %dma_start3A_282] : memref<3x40x512xi32, #tpu.memory_space<vmem>> -> memref<1x40x512xi32, #tpu.memory_space<vmem>>
    %dma_start3A_284 = tpu.memref_squeeze %dma_start3A_283 : memref<1x40x512xi32, #tpu.memory_space<vmem>> -> memref<40x512xi32, #tpu.memory_space<vmem>>
    %dma_start3A_285 = arith.constant 160 : i32
    %dma_start3A_286 = tpu.memref_slice %arg2[%dma_start3A_285, %mul3A_279] : memref<200x16384xi32, #tpu.memory_space<hbm>> -> memref<40x512xi32, #tpu.memory_space<hbm>>
    %dma_start3A_287 = arith.constant 0 : i32
    %dma_start3A_288 = arith.constant 0 : i32
    %dma_start3A_289 = tpu.memref_slice %arg7[%dma_start3A_280, %dma_start3A_287, %dma_start3A_288] : memref<3x40x512xi32, #tpu.memory_space<vmem>> -> memref<1x40x512xi32, #tpu.memory_space<vmem>>
    %dma_start3A_290 = tpu.memref_squeeze %dma_start3A_289 : memref<1x40x512xi32, #tpu.memory_space<vmem>> -> memref<40x512xi32, #tpu.memory_space<vmem>>
    %dma_start3A_291 = arith.constant 160 : i32
    %dma_start3A_292 = tpu.memref_slice %arg2[%dma_start3A_291, %mul3A_279] : memref<200x16384xi32, #tpu.memory_space<hbm>> -> memref<40x512xi32, #tpu.memory_space<hbm>>
    tpu.enqueue_dma source(%dma_start3A_292 : memref<40x512xi32, #tpu.memory_space<hbm>>) target(%dma_start3A_290 : memref<40x512xi32, #tpu.memory_space<vmem>>) target_semaphore(%arg14 : memref<!tpu.dma_semaphore, #tpu.memory_space<semaphore_mem>>)
    %mul3A_293 = arith.constant 512 : i32
    %mul3A_294 = arith.muli %add3A, %mul3A_293 : i32
    %dma_wait3A_295 = arith.constant 0 : i32
    %dma_wait3A_296 = arith.constant 0 : i32
    %dma_wait3A_297 = arith.constant 0 : i32
    %dma_wait3A_298 = tpu.memref_slice %arg7[%dma_wait3A_295, %dma_wait3A_296, %dma_wait3A_297] : memref<3x40x512xi32, #tpu.memory_space<vmem>> -> memref<1x40x512xi32, #tpu.memory_space<vmem>>
    %dma_wait3A_299 = tpu.memref_squeeze %dma_wait3A_298 : memref<1x40x512xi32, #tpu.memory_space<vmem>> -> memref<40x512xi32, #tpu.memory_space<vmem>>
    %dma_wait3A_300 = arith.constant 120 : i32
    %dma_wait3A_301 = tpu.memref_slice %arg2[%dma_wait3A_300, %mul3A_294] : memref<200x16384xi32, #tpu.memory_space<hbm>> -> memref<40x512xi32, #tpu.memory_space<hbm>>
    %dma_wait3A_302 = arith.constant 0 : i32
    %dma_wait3A_303 = arith.constant 0 : i32
    %dma_wait3A_304 = tpu.memref_slice %arg7[%dma_wait3A_295, %dma_wait3A_302, %dma_wait3A_303] : memref<3x40x512xi32, #tpu.memory_space<vmem>> -> memref<1x40x512xi32, #tpu.memory_space<vmem>>
    %dma_wait3A_305 = tpu.memref_squeeze %dma_wait3A_304 : memref<1x40x512xi32, #tpu.memory_space<vmem>> -> memref<40x512xi32, #tpu.memory_space<vmem>>
    %dma_wait3A_306 = arith.constant 120 : i32
    %dma_wait3A_307 = tpu.memref_slice %arg2[%dma_wait3A_306, %mul3A_294] : memref<200x16384xi32, #tpu.memory_space<hbm>> -> memref<40x512xi32, #tpu.memory_space<hbm>>
    tpu.wait_dma2 semaphore(%arg13 : memref<!tpu.dma_semaphore, #tpu.memory_space<semaphore_mem>>) src(%dma_wait3A_307 : memref<40x512xi32, #tpu.memory_space<hbm>>) dst(%dma_wait3A_305 : memref<40x512xi32, #tpu.memory_space<vmem>>)
    %scan3A_308 = arith.constant 0 : i32
    %scan3A_309 = arith.constant 0 : i32
    %scan3A_310 = arith.constant 40 : i32
    %scan3A_311 = arith.addi %scan3A_309, %scan3A_310 : i32
    %scan3A_312 = arith.constant 1 : i32
    scf.for %scan3A_355 = %scan3A_309 to %scan3A_311 step %scan3A_312  : i32 {
      %dma_start3A_356 = arith.constant 0 : i32
      %dma_start3A_357 = arith.constant 0 : i32
      %dma_start3A_358 = tpu.memref_slice %arg8[%dma_start3A_357] : memref<512xf32, #tpu.memory_space<vmem>> -> memref<128xf32, #tpu.memory_space<vmem>>
      %dma_start3A_359 = arith.constant 0 : i32
      %dma_start3A_360 = tpu.memref_slice %arg7[%dma_start3A_356, %scan3A_355, %dma_start3A_359] : memref<3x40x512xi32, #tpu.memory_space<vmem>> -> memref<1x1x128xi32, #tpu.memory_space<vmem>>
      %dma_start3A_361 = tpu.memref_squeeze %dma_start3A_360 : memref<1x1x128xi32, #tpu.memory_space<vmem>> -> memref<128xi32, #tpu.memory_space<vmem>>
      %dma_start3A_362 = arith.constant 0 : i32
      %dma_start3A_363 = tpu.memref_slice %arg6[%dma_start3A_362] : memref<1000000xf32, #tpu.memory_space<vmem_shared>> -> memref<1000000xf32, #tpu.memory_space<vmem_shared>>
      tpu.enqueue_indirect_dma source(%dma_start3A_363 : memref<1000000xf32, #tpu.memory_space<vmem_shared>>) target(%dma_start3A_358 : memref<128xf32, #tpu.memory_space<vmem>>) offsets(%dma_start3A_361 : memref<128xi32, #tpu.memory_space<vmem>>) semaphore(%arg15 : memref<!tpu.dma_semaphore, #tpu.memory_space<semaphore_mem>>) {add = true}
      %dma_start3A_364 = arith.constant 0 : i32
      %dma_start3A_365 = arith.constant 128 : i32
      %dma_start3A_366 = tpu.memref_slice %arg8[%dma_start3A_365] : memref<512xf32, #tpu.memory_space<vmem>> -> memref<128xf32, #tpu.memory_space<vmem>>
      %dma_start3A_367 = arith.constant 128 : i32
      %dma_start3A_368 = tpu.memref_slice %arg7[%dma_start3A_364, %scan3A_355, %dma_start3A_367] : memref<3x40x512xi32, #tpu.memory_space<vmem>> -> memref<1x1x128xi32, #tpu.memory_space<vmem>>
      %dma_start3A_369 = tpu.memref_squeeze %dma_start3A_368 : memref<1x1x128xi32, #tpu.memory_space<vmem>> -> memref<128xi32, #tpu.memory_space<vmem>>
      %dma_start3A_370 = arith.constant 0 : i32
      %dma_start3A_371 = tpu.memref_slice %arg6[%dma_start3A_370] : memref<1000000xf32, #tpu.memory_space<vmem_shared>> -> memref<1000000xf32, #tpu.memory_space<vmem_shared>>
      tpu.enqueue_indirect_dma source(%dma_start3A_371 : memref<1000000xf32, #tpu.memory_space<vmem_shared>>) target(%dma_start3A_366 : memref<128xf32, #tpu.memory_space<vmem>>) offsets(%dma_start3A_369 : memref<128xi32, #tpu.memory_space<vmem>>) semaphore(%arg15 : memref<!tpu.dma_semaphore, #tpu.memory_space<semaphore_mem>>) {add = true}
      %dma_start3A_372 = arith.constant 0 : i32
      %dma_start3A_373 = arith.constant 256 : i32
      %dma_start3A_374 = tpu.memref_slice %arg8[%dma_start3A_373] : memref<512xf32, #tpu.memory_space<vmem>> -> memref<128xf32, #tpu.memory_space<vmem>>
      %dma_start3A_375 = arith.constant 256 : i32
      %dma_start3A_376 = tpu.memref_slice %arg7[%dma_start3A_372, %scan3A_355, %dma_start3A_375] : memref<3x40x512xi32, #tpu.memory_space<vmem>> -> memref<1x1x128xi32, #tpu.memory_space<vmem>>
      %dma_start3A_377 = tpu.memref_squeeze %dma_start3A_376 : memref<1x1x128xi32, #tpu.memory_space<vmem>> -> memref<128xi32, #tpu.memory_space<vmem>>
      %dma_start3A_378 = arith.constant 0 : i32
      %dma_start3A_379 = tpu.memref_slice %arg6[%dma_start3A_378] : memref<1000000xf32, #tpu.memory_space<vmem_shared>> -> memref<1000000xf32, #tpu.memory_space<vmem_shared>>
      tpu.enqueue_indirect_dma source(%dma_start3A_379 : memref<1000000xf32, #tpu.memory_space<vmem_shared>>) target(%dma_start3A_374 : memref<128xf32, #tpu.memory_space<vmem>>) offsets(%dma_start3A_377 : memref<128xi32, #tpu.memory_space<vmem>>) semaphore(%arg15 : memref<!tpu.dma_semaphore, #tpu.memory_space<semaphore_mem>>) {add = true}
      %dma_start3A_380 = arith.constant 0 : i32
      %dma_start3A_381 = arith.constant 384 : i32
      %dma_start3A_382 = tpu.memref_slice %arg8[%dma_start3A_381] : memref<512xf32, #tpu.memory_space<vmem>> -> memref<128xf32, #tpu.memory_space<vmem>>
      %dma_start3A_383 = arith.constant 384 : i32
      %dma_start3A_384 = tpu.memref_slice %arg7[%dma_start3A_380, %scan3A_355, %dma_start3A_383] : memref<3x40x512xi32, #tpu.memory_space<vmem>> -> memref<1x1x128xi32, #tpu.memory_space<vmem>>
      %dma_start3A_385 = tpu.memref_squeeze %dma_start3A_384 : memref<1x1x128xi32, #tpu.memory_space<vmem>> -> memref<128xi32, #tpu.memory_space<vmem>>
      %dma_start3A_386 = arith.constant 0 : i32
      %dma_start3A_387 = tpu.memref_slice %arg6[%dma_start3A_386] : memref<1000000xf32, #tpu.memory_space<vmem_shared>> -> memref<1000000xf32, #tpu.memory_space<vmem_shared>>
      tpu.enqueue_indirect_dma source(%dma_start3A_387 : memref<1000000xf32, #tpu.memory_space<vmem_shared>>) target(%dma_start3A_382 : memref<128xf32, #tpu.memory_space<vmem>>) offsets(%dma_start3A_385 : memref<128xi32, #tpu.memory_space<vmem>>) semaphore(%arg15 : memref<!tpu.dma_semaphore, #tpu.memory_space<semaphore_mem>>) {add = true}
    }
    %scan3A_313 = arith.constant 40 : i32
    %scan3A_314 = arith.constant 0 : i32
    %scan3A_315 = arith.constant 0 : i32
    %scan3A_316 = arith.constant 40 : i32
    %scan3A_317 = arith.addi %scan3A_315, %scan3A_316 : i32
    %scan3A_318 = arith.constant 1 : i32
    scf.for %scan3A_355 = %scan3A_315 to %scan3A_317 step %scan3A_318  : i32 {
      %dma_wait3A_356 = arith.constant 2 : i32
      %dma_wait3A_357 = arith.constant 0 : i32
      %dma_wait3A_358 = tpu.memref_slice %arg8[%dma_wait3A_357] : memref<512xf32, #tpu.memory_space<vmem>> -> memref<128xf32, #tpu.memory_space<vmem>>
      %dma_wait3A_359 = arith.constant 0 : i32
      %dma_wait3A_360 = tpu.memref_slice %arg7[%dma_wait3A_356, %scan3A_355, %dma_wait3A_359] : memref<3x40x512xi32, #tpu.memory_space<vmem>> -> memref<1x1x128xi32, #tpu.memory_space<vmem>>
      %dma_wait3A_361 = tpu.memref_squeeze %dma_wait3A_360 : memref<1x1x128xi32, #tpu.memory_space<vmem>> -> memref<128xi32, #tpu.memory_space<vmem>>
      %dma_wait3A_362 = arith.constant 0 : i32
      %dma_wait3A_363 = tpu.memref_slice %arg6[%dma_wait3A_362] : memref<1000000xf32, #tpu.memory_space<vmem_shared>> -> memref<1000000xf32, #tpu.memory_space<vmem_shared>>
      tpu.wait_indirect_dma semaphore(%arg15 : memref<!tpu.dma_semaphore, #tpu.memory_space<semaphore_mem>>) src(%dma_wait3A_363 : memref<1000000xf32, #tpu.memory_space<vmem_shared>>) dst(%dma_wait3A_358 : memref<128xf32, #tpu.memory_space<vmem>>)
      %dma_wait3A_364 = arith.constant 2 : i32
      %dma_wait3A_365 = arith.constant 128 : i32
      %dma_wait3A_366 = tpu.memref_slice %arg8[%dma_wait3A_365] : memref<512xf32, #tpu.memory_space<vmem>> -> memref<128xf32, #tpu.memory_space<vmem>>
      %dma_wait3A_367 = arith.constant 128 : i32
      %dma_wait3A_368 = tpu.memref_slice %arg7[%dma_wait3A_364, %scan3A_355, %dma_wait3A_367] : memref<3x40x512xi32, #tpu.memory_space<vmem>> -> memref<1x1x128xi32, #tpu.memory_space<vmem>>
      %dma_wait3A_369 = tpu.memref_squeeze %dma_wait3A_368 : memref<1x1x128xi32, #tpu.memory_space<vmem>> -> memref<128xi32, #tpu.memory_space<vmem>>
      %dma_wait3A_370 = arith.constant 0 : i32
      %dma_wait3A_371 = tpu.memref_slice %arg6[%dma_wait3A_370] : memref<1000000xf32, #tpu.memory_space<vmem_shared>> -> memref<1000000xf32, #tpu.memory_space<vmem_shared>>
      tpu.wait_indirect_dma semaphore(%arg15 : memref<!tpu.dma_semaphore, #tpu.memory_space<semaphore_mem>>) src(%dma_wait3A_371 : memref<1000000xf32, #tpu.memory_space<vmem_shared>>) dst(%dma_wait3A_366 : memref<128xf32, #tpu.memory_space<vmem>>)
      %dma_wait3A_372 = arith.constant 2 : i32
      %dma_wait3A_373 = arith.constant 256 : i32
      %dma_wait3A_374 = tpu.memref_slice %arg8[%dma_wait3A_373] : memref<512xf32, #tpu.memory_space<vmem>> -> memref<128xf32, #tpu.memory_space<vmem>>
      %dma_wait3A_375 = arith.constant 256 : i32
      %dma_wait3A_376 = tpu.memref_slice %arg7[%dma_wait3A_372, %scan3A_355, %dma_wait3A_375] : memref<3x40x512xi32, #tpu.memory_space<vmem>> -> memref<1x1x128xi32, #tpu.memory_space<vmem>>
      %dma_wait3A_377 = tpu.memref_squeeze %dma_wait3A_376 : memref<1x1x128xi32, #tpu.memory_space<vmem>> -> memref<128xi32, #tpu.memory_space<vmem>>
      %dma_wait3A_378 = arith.constant 0 : i32
      %dma_wait3A_379 = tpu.memref_slice %arg6[%dma_wait3A_378] : memref<1000000xf32, #tpu.memory_space<vmem_shared>> -> memref<1000000xf32, #tpu.memory_space<vmem_shared>>
      tpu.wait_indirect_dma semaphore(%arg15 : memref<!tpu.dma_semaphore, #tpu.memory_space<semaphore_mem>>) src(%dma_wait3A_379 : memref<1000000xf32, #tpu.memory_space<vmem_shared>>) dst(%dma_wait3A_374 : memref<128xf32, #tpu.memory_space<vmem>>)
      %dma_wait3A_380 = arith.constant 2 : i32
      %dma_wait3A_381 = arith.constant 384 : i32
      %dma_wait3A_382 = tpu.memref_slice %arg8[%dma_wait3A_381] : memref<512xf32, #tpu.memory_space<vmem>> -> memref<128xf32, #tpu.memory_space<vmem>>
      %dma_wait3A_383 = arith.constant 384 : i32
      %dma_wait3A_384 = tpu.memref_slice %arg7[%dma_wait3A_380, %scan3A_355, %dma_wait3A_383] : memref<3x40x512xi32, #tpu.memory_space<vmem>> -> memref<1x1x128xi32, #tpu.memory_space<vmem>>
      %dma_wait3A_385 = tpu.memref_squeeze %dma_wait3A_384 : memref<1x1x128xi32, #tpu.memory_space<vmem>> -> memref<128xi32, #tpu.memory_space<vmem>>
      %dma_wait3A_386 = arith.constant 0 : i32
      %dma_wait3A_387 = tpu.memref_slice %arg6[%dma_wait3A_386] : memref<1000000xf32, #tpu.memory_space<vmem_shared>> -> memref<1000000xf32, #tpu.memory_space<vmem_shared>>
      tpu.wait_indirect_dma semaphore(%arg15 : memref<!tpu.dma_semaphore, #tpu.memory_space<semaphore_mem>>) src(%dma_wait3A_387 : memref<1000000xf32, #tpu.memory_space<vmem_shared>>) dst(%dma_wait3A_382 : memref<128xf32, #tpu.memory_space<vmem>>)
    }
    %scan3A_319 = arith.constant 40 : i32
    %mul3A_320 = arith.constant 512 : i32
    %mul3A_321 = arith.muli %add3A, %mul3A_320 : i32
    %dma_wait3A_322 = arith.constant 1 : i32
    %dma_wait3A_323 = arith.constant 0 : i32
    %dma_wait3A_324 = arith.constant 0 : i32
    %dma_wait3A_325 = tpu.memref_slice %arg7[%dma_wait3A_322, %dma_wait3A_323, %dma_wait3A_324] : memref<3x40x512xi32, #tpu.memory_space<vmem>> -> memref<1x40x512xi32, #tpu.memory_space<vmem>>
    %dma_wait3A_326 = tpu.memref_squeeze %dma_wait3A_325 : memref<1x40x512xi32, #tpu.memory_space<vmem>> -> memref<40x512xi32, #tpu.memory_space<vmem>>
    %dma_wait3A_327 = arith.constant 160 : i32
    %dma_wait3A_328 = tpu.memref_slice %arg2[%dma_wait3A_327, %mul3A_321] : memref<200x16384xi32, #tpu.memory_space<hbm>> -> memref<40x512xi32, #tpu.memory_space<hbm>>
    %dma_wait3A_329 = arith.constant 0 : i32
    %dma_wait3A_330 = arith.constant 0 : i32
    %dma_wait3A_331 = tpu.memref_slice %arg7[%dma_wait3A_322, %dma_wait3A_329, %dma_wait3A_330] : memref<3x40x512xi32, #tpu.memory_space<vmem>> -> memref<1x40x512xi32, #tpu.memory_space<vmem>>
    %dma_wait3A_332 = tpu.memref_squeeze %dma_wait3A_331 : memref<1x40x512xi32, #tpu.memory_space<vmem>> -> memref<40x512xi32, #tpu.memory_space<vmem>>
    %dma_wait3A_333 = arith.constant 160 : i32
    %dma_wait3A_334 = tpu.memref_slice %arg2[%dma_wait3A_333, %mul3A_321] : memref<200x16384xi32, #tpu.memory_space<hbm>> -> memref<40x512xi32, #tpu.memory_space<hbm>>
    tpu.wait_dma2 semaphore(%arg14 : memref<!tpu.dma_semaphore, #tpu.memory_space<semaphore_mem>>) src(%dma_wait3A_334 : memref<40x512xi32, #tpu.memory_space<hbm>>) dst(%dma_wait3A_332 : memref<40x512xi32, #tpu.memory_space<vmem>>)
    %scan3A_335 = arith.constant 0 : i32
    %scan3A_336 = arith.constant 0 : i32
    %scan3A_337 = arith.constant 40 : i32
    %scan3A_338 = arith.addi %scan3A_336, %scan3A_337 : i32
    %scan3A_339 = arith.constant 1 : i32
    scf.for %scan3A_355 = %scan3A_336 to %scan3A_338 step %scan3A_339  : i32 {
      %dma_start3A_356 = arith.constant 1 : i32
      %dma_start3A_357 = arith.constant 0 : i32
      %dma_start3A_358 = tpu.memref_slice %arg8[%dma_start3A_357] : memref<512xf32, #tpu.memory_space<vmem>> -> memref<128xf32, #tpu.memory_space<vmem>>
      %dma_start3A_359 = arith.constant 0 : i32
      %dma_start3A_360 = tpu.memref_slice %arg7[%dma_start3A_356, %scan3A_355, %dma_start3A_359] : memref<3x40x512xi32, #tpu.memory_space<vmem>> -> memref<1x1x128xi32, #tpu.memory_space<vmem>>
      %dma_start3A_361 = tpu.memref_squeeze %dma_start3A_360 : memref<1x1x128xi32, #tpu.memory_space<vmem>> -> memref<128xi32, #tpu.memory_space<vmem>>
      %dma_start3A_362 = arith.constant 0 : i32
      %dma_start3A_363 = tpu.memref_slice %arg6[%dma_start3A_362] : memref<1000000xf32, #tpu.memory_space<vmem_shared>> -> memref<1000000xf32, #tpu.memory_space<vmem_shared>>
      tpu.enqueue_indirect_dma source(%dma_start3A_363 : memref<1000000xf32, #tpu.memory_space<vmem_shared>>) target(%dma_start3A_358 : memref<128xf32, #tpu.memory_space<vmem>>) offsets(%dma_start3A_361 : memref<128xi32, #tpu.memory_space<vmem>>) semaphore(%arg15 : memref<!tpu.dma_semaphore, #tpu.memory_space<semaphore_mem>>) {add = true}
      %dma_start3A_364 = arith.constant 1 : i32
      %dma_start3A_365 = arith.constant 128 : i32
      %dma_start3A_366 = tpu.memref_slice %arg8[%dma_start3A_365] : memref<512xf32, #tpu.memory_space<vmem>> -> memref<128xf32, #tpu.memory_space<vmem>>
      %dma_start3A_367 = arith.constant 128 : i32
      %dma_start3A_368 = tpu.memref_slice %arg7[%dma_start3A_364, %scan3A_355, %dma_start3A_367] : memref<3x40x512xi32, #tpu.memory_space<vmem>> -> memref<1x1x128xi32, #tpu.memory_space<vmem>>
      %dma_start3A_369 = tpu.memref_squeeze %dma_start3A_368 : memref<1x1x128xi32, #tpu.memory_space<vmem>> -> memref<128xi32, #tpu.memory_space<vmem>>
      %dma_start3A_370 = arith.constant 0 : i32
      %dma_start3A_371 = tpu.memref_slice %arg6[%dma_start3A_370] : memref<1000000xf32, #tpu.memory_space<vmem_shared>> -> memref<1000000xf32, #tpu.memory_space<vmem_shared>>
      tpu.enqueue_indirect_dma source(%dma_start3A_371 : memref<1000000xf32, #tpu.memory_space<vmem_shared>>) target(%dma_start3A_366 : memref<128xf32, #tpu.memory_space<vmem>>) offsets(%dma_start3A_369 : memref<128xi32, #tpu.memory_space<vmem>>) semaphore(%arg15 : memref<!tpu.dma_semaphore, #tpu.memory_space<semaphore_mem>>) {add = true}
      %dma_start3A_372 = arith.constant 1 : i32
      %dma_start3A_373 = arith.constant 256 : i32
      %dma_start3A_374 = tpu.memref_slice %arg8[%dma_start3A_373] : memref<512xf32, #tpu.memory_space<vmem>> -> memref<128xf32, #tpu.memory_space<vmem>>
      %dma_start3A_375 = arith.constant 256 : i32
      %dma_start3A_376 = tpu.memref_slice %arg7[%dma_start3A_372, %scan3A_355, %dma_start3A_375] : memref<3x40x512xi32, #tpu.memory_space<vmem>> -> memref<1x1x128xi32, #tpu.memory_space<vmem>>
      %dma_start3A_377 = tpu.memref_squeeze %dma_start3A_376 : memref<1x1x128xi32, #tpu.memory_space<vmem>> -> memref<128xi32, #tpu.memory_space<vmem>>
      %dma_start3A_378 = arith.constant 0 : i32
      %dma_start3A_379 = tpu.memref_slice %arg6[%dma_start3A_378] : memref<1000000xf32, #tpu.memory_space<vmem_shared>> -> memref<1000000xf32, #tpu.memory_space<vmem_shared>>
      tpu.enqueue_indirect_dma source(%dma_start3A_379 : memref<1000000xf32, #tpu.memory_space<vmem_shared>>) target(%dma_start3A_374 : memref<128xf32, #tpu.memory_space<vmem>>) offsets(%dma_start3A_377 : memref<128xi32, #tpu.memory_space<vmem>>) semaphore(%arg15 : memref<!tpu.dma_semaphore, #tpu.memory_space<semaphore_mem>>) {add = true}
      %dma_start3A_380 = arith.constant 1 : i32
      %dma_start3A_381 = arith.constant 384 : i32
      %dma_start3A_382 = tpu.memref_slice %arg8[%dma_start3A_381] : memref<512xf32, #tpu.memory_space<vmem>> -> memref<128xf32, #tpu.memory_space<vmem>>
      %dma_start3A_383 = arith.constant 384 : i32
      %dma_start3A_384 = tpu.memref_slice %arg7[%dma_start3A_380, %scan3A_355, %dma_start3A_383] : memref<3x40x512xi32, #tpu.memory_space<vmem>> -> memref<1x1x128xi32, #tpu.memory_space<vmem>>
      %dma_start3A_385 = tpu.memref_squeeze %dma_start3A_384 : memref<1x1x128xi32, #tpu.memory_space<vmem>> -> memref<128xi32, #tpu.memory_space<vmem>>
      %dma_start3A_386 = arith.constant 0 : i32
      %dma_start3A_387 = tpu.memref_slice %arg6[%dma_start3A_386] : memref<1000000xf32, #tpu.memory_space<vmem_shared>> -> memref<1000000xf32, #tpu.memory_space<vmem_shared>>
      tpu.enqueue_indirect_dma source(%dma_start3A_387 : memref<1000000xf32, #tpu.memory_space<vmem_shared>>) target(%dma_start3A_382 : memref<128xf32, #tpu.memory_space<vmem>>) offsets(%dma_start3A_385 : memref<128xi32, #tpu.memory_space<vmem>>) semaphore(%arg15 : memref<!tpu.dma_semaphore, #tpu.memory_space<semaphore_mem>>) {add = true}
    }
    %scan3A_340 = arith.constant 40 : i32
    %scan3A_341 = arith.constant 0 : i32
    %scan3A_342 = arith.constant 0 : i32
    %scan3A_343 = arith.constant 40 : i32
    %scan3A_344 = arith.addi %scan3A_342, %scan3A_343 : i32
    %scan3A_345 = arith.constant 1 : i32
    scf.for %scan3A_355 = %scan3A_342 to %scan3A_344 step %scan3A_345  : i32 {
      %dma_wait3A_356 = arith.constant 0 : i32
      %dma_wait3A_357 = arith.constant 0 : i32
      %dma_wait3A_358 = tpu.memref_slice %arg8[%dma_wait3A_357] : memref<512xf32, #tpu.memory_space<vmem>> -> memref<128xf32, #tpu.memory_space<vmem>>
      %dma_wait3A_359 = arith.constant 0 : i32
      %dma_wait3A_360 = tpu.memref_slice %arg7[%dma_wait3A_356, %scan3A_355, %dma_wait3A_359] : memref<3x40x512xi32, #tpu.memory_space<vmem>> -> memref<1x1x128xi32, #tpu.memory_space<vmem>>
      %dma_wait3A_361 = tpu.memref_squeeze %dma_wait3A_360 : memref<1x1x128xi32, #tpu.memory_space<vmem>> -> memref<128xi32, #tpu.memory_space<vmem>>
      %dma_wait3A_362 = arith.constant 0 : i32
      %dma_wait3A_363 = tpu.memref_slice %arg6[%dma_wait3A_362] : memref<1000000xf32, #tpu.memory_space<vmem_shared>> -> memref<1000000xf32, #tpu.memory_space<vmem_shared>>
      tpu.wait_indirect_dma semaphore(%arg15 : memref<!tpu.dma_semaphore, #tpu.memory_space<semaphore_mem>>) src(%dma_wait3A_363 : memref<1000000xf32, #tpu.memory_space<vmem_shared>>) dst(%dma_wait3A_358 : memref<128xf32, #tpu.memory_space<vmem>>)
      %dma_wait3A_364 = arith.constant 0 : i32
      %dma_wait3A_365 = arith.constant 128 : i32
      %dma_wait3A_366 = tpu.memref_slice %arg8[%dma_wait3A_365] : memref<512xf32, #tpu.memory_space<vmem>> -> memref<128xf32, #tpu.memory_space<vmem>>
      %dma_wait3A_367 = arith.constant 128 : i32
      %dma_wait3A_368 = tpu.memref_slice %arg7[%dma_wait3A_364, %scan3A_355, %dma_wait3A_367] : memref<3x40x512xi32, #tpu.memory_space<vmem>> -> memref<1x1x128xi32, #tpu.memory_space<vmem>>
      %dma_wait3A_369 = tpu.memref_squeeze %dma_wait3A_368 : memref<1x1x128xi32, #tpu.memory_space<vmem>> -> memref<128xi32, #tpu.memory_space<vmem>>
      %dma_wait3A_370 = arith.constant 0 : i32
      %dma_wait3A_371 = tpu.memref_slice %arg6[%dma_wait3A_370] : memref<1000000xf32, #tpu.memory_space<vmem_shared>> -> memref<1000000xf32, #tpu.memory_space<vmem_shared>>
      tpu.wait_indirect_dma semaphore(%arg15 : memref<!tpu.dma_semaphore, #tpu.memory_space<semaphore_mem>>) src(%dma_wait3A_371 : memref<1000000xf32, #tpu.memory_space<vmem_shared>>) dst(%dma_wait3A_366 : memref<128xf32, #tpu.memory_space<vmem>>)
      %dma_wait3A_372 = arith.constant 0 : i32
      %dma_wait3A_373 = arith.constant 256 : i32
      %dma_wait3A_374 = tpu.memref_slice %arg8[%dma_wait3A_373] : memref<512xf32, #tpu.memory_space<vmem>> -> memref<128xf32, #tpu.memory_space<vmem>>
      %dma_wait3A_375 = arith.constant 256 : i32
      %dma_wait3A_376 = tpu.memref_slice %arg7[%dma_wait3A_372, %scan3A_355, %dma_wait3A_375] : memref<3x40x512xi32, #tpu.memory_space<vmem>> -> memref<1x1x128xi32, #tpu.memory_space<vmem>>
      %dma_wait3A_377 = tpu.memref_squeeze %dma_wait3A_376 : memref<1x1x128xi32, #tpu.memory_space<vmem>> -> memref<128xi32, #tpu.memory_space<vmem>>
      %dma_wait3A_378 = arith.constant 0 : i32
      %dma_wait3A_379 = tpu.memref_slice %arg6[%dma_wait3A_378] : memref<1000000xf32, #tpu.memory_space<vmem_shared>> -> memref<1000000xf32, #tpu.memory_space<vmem_shared>>
      tpu.wait_indirect_dma semaphore(%arg15 : memref<!tpu.dma_semaphore, #tpu.memory_space<semaphore_mem>>) src(%dma_wait3A_379 : memref<1000000xf32, #tpu.memory_space<vmem_shared>>) dst(%dma_wait3A_374 : memref<128xf32, #tpu.memory_space<vmem>>)
      %dma_wait3A_380 = arith.constant 0 : i32
      %dma_wait3A_381 = arith.constant 384 : i32
      %dma_wait3A_382 = tpu.memref_slice %arg8[%dma_wait3A_381] : memref<512xf32, #tpu.memory_space<vmem>> -> memref<128xf32, #tpu.memory_space<vmem>>
      %dma_wait3A_383 = arith.constant 384 : i32
      %dma_wait3A_384 = tpu.memref_slice %arg7[%dma_wait3A_380, %scan3A_355, %dma_wait3A_383] : memref<3x40x512xi32, #tpu.memory_space<vmem>> -> memref<1x1x128xi32, #tpu.memory_space<vmem>>
      %dma_wait3A_385 = tpu.memref_squeeze %dma_wait3A_384 : memref<1x1x128xi32, #tpu.memory_space<vmem>> -> memref<128xi32, #tpu.memory_space<vmem>>
      %dma_wait3A_386 = arith.constant 0 : i32
      %dma_wait3A_387 = tpu.memref_slice %arg6[%dma_wait3A_386] : memref<1000000xf32, #tpu.memory_space<vmem_shared>> -> memref<1000000xf32, #tpu.memory_space<vmem_shared>>
      tpu.wait_indirect_dma semaphore(%arg15 : memref<!tpu.dma_semaphore, #tpu.memory_space<semaphore_mem>>) src(%dma_wait3A_387 : memref<1000000xf32, #tpu.memory_space<vmem_shared>>) dst(%dma_wait3A_382 : memref<128xf32, #tpu.memory_space<vmem>>)
    }
    %scan3A_346 = arith.constant 40 : i32
    %scan3A_347 = arith.constant 0 : i32
    %scan3A_348 = arith.constant 0 : i32
    %scan3A_349 = arith.constant 40 : i32
    %scan3A_350 = arith.addi %scan3A_348, %scan3A_349 : i32
    %scan3A_351 = arith.constant 1 : i32
    scf.for %scan3A_355 = %scan3A_348 to %scan3A_350 step %scan3A_351  : i32 {
      %dma_wait3A_356 = arith.constant 1 : i32
      %dma_wait3A_357 = arith.constant 0 : i32
      %dma_wait3A_358 = tpu.memref_slice %arg8[%dma_wait3A_357] : memref<512xf32, #tpu.memory_space<vmem>> -> memref<128xf32, #tpu.memory_space<vmem>>
      %dma_wait3A_359 = arith.constant 0 : i32
      %dma_wait3A_360 = tpu.memref_slice %arg7[%dma_wait3A_356, %scan3A_355, %dma_wait3A_359] : memref<3x40x512xi32, #tpu.memory_space<vmem>> -> memref<1x1x128xi32, #tpu.memory_space<vmem>>
      %dma_wait3A_361 = tpu.memref_squeeze %dma_wait3A_360 : memref<1x1x128xi32, #tpu.memory_space<vmem>> -> memref<128xi32, #tpu.memory_space<vmem>>
      %dma_wait3A_362 = arith.constant 0 : i32
      %dma_wait3A_363 = tpu.memref_slice %arg6[%dma_wait3A_362] : memref<1000000xf32, #tpu.memory_space<vmem_shared>> -> memref<1000000xf32, #tpu.memory_space<vmem_shared>>
      tpu.wait_indirect_dma semaphore(%arg15 : memref<!tpu.dma_semaphore, #tpu.memory_space<semaphore_mem>>) src(%dma_wait3A_363 : memref<1000000xf32, #tpu.memory_space<vmem_shared>>) dst(%dma_wait3A_358 : memref<128xf32, #tpu.memory_space<vmem>>)
      %dma_wait3A_364 = arith.constant 1 : i32
      %dma_wait3A_365 = arith.constant 128 : i32
      %dma_wait3A_366 = tpu.memref_slice %arg8[%dma_wait3A_365] : memref<512xf32, #tpu.memory_space<vmem>> -> memref<128xf32, #tpu.memory_space<vmem>>
      %dma_wait3A_367 = arith.constant 128 : i32
      %dma_wait3A_368 = tpu.memref_slice %arg7[%dma_wait3A_364, %scan3A_355, %dma_wait3A_367] : memref<3x40x512xi32, #tpu.memory_space<vmem>> -> memref<1x1x128xi32, #tpu.memory_space<vmem>>
      %dma_wait3A_369 = tpu.memref_squeeze %dma_wait3A_368 : memref<1x1x128xi32, #tpu.memory_space<vmem>> -> memref<128xi32, #tpu.memory_space<vmem>>
      %dma_wait3A_370 = arith.constant 0 : i32
      %dma_wait3A_371 = tpu.memref_slice %arg6[%dma_wait3A_370] : memref<1000000xf32, #tpu.memory_space<vmem_shared>> -> memref<1000000xf32, #tpu.memory_space<vmem_shared>>
      tpu.wait_indirect_dma semaphore(%arg15 : memref<!tpu.dma_semaphore, #tpu.memory_space<semaphore_mem>>) src(%dma_wait3A_371 : memref<1000000xf32, #tpu.memory_space<vmem_shared>>) dst(%dma_wait3A_366 : memref<128xf32, #tpu.memory_space<vmem>>)
      %dma_wait3A_372 = arith.constant 1 : i32
      %dma_wait3A_373 = arith.constant 256 : i32
      %dma_wait3A_374 = tpu.memref_slice %arg8[%dma_wait3A_373] : memref<512xf32, #tpu.memory_space<vmem>> -> memref<128xf32, #tpu.memory_space<vmem>>
      %dma_wait3A_375 = arith.constant 256 : i32
      %dma_wait3A_376 = tpu.memref_slice %arg7[%dma_wait3A_372, %scan3A_355, %dma_wait3A_375] : memref<3x40x512xi32, #tpu.memory_space<vmem>> -> memref<1x1x128xi32, #tpu.memory_space<vmem>>
      %dma_wait3A_377 = tpu.memref_squeeze %dma_wait3A_376 : memref<1x1x128xi32, #tpu.memory_space<vmem>> -> memref<128xi32, #tpu.memory_space<vmem>>
      %dma_wait3A_378 = arith.constant 0 : i32
      %dma_wait3A_379 = tpu.memref_slice %arg6[%dma_wait3A_378] : memref<1000000xf32, #tpu.memory_space<vmem_shared>> -> memref<1000000xf32, #tpu.memory_space<vmem_shared>>
      tpu.wait_indirect_dma semaphore(%arg15 : memref<!tpu.dma_semaphore, #tpu.memory_space<semaphore_mem>>) src(%dma_wait3A_379 : memref<1000000xf32, #tpu.memory_space<vmem_shared>>) dst(%dma_wait3A_374 : memref<128xf32, #tpu.memory_space<vmem>>)
      %dma_wait3A_380 = arith.constant 1 : i32
      %dma_wait3A_381 = arith.constant 384 : i32
      %dma_wait3A_382 = tpu.memref_slice %arg8[%dma_wait3A_381] : memref<512xf32, #tpu.memory_space<vmem>> -> memref<128xf32, #tpu.memory_space<vmem>>
      %dma_wait3A_383 = arith.constant 384 : i32
      %dma_wait3A_384 = tpu.memref_slice %arg7[%dma_wait3A_380, %scan3A_355, %dma_wait3A_383] : memref<3x40x512xi32, #tpu.memory_space<vmem>> -> memref<1x1x128xi32, #tpu.memory_space<vmem>>
      %dma_wait3A_385 = tpu.memref_squeeze %dma_wait3A_384 : memref<1x1x128xi32, #tpu.memory_space<vmem>> -> memref<128xi32, #tpu.memory_space<vmem>>
      %dma_wait3A_386 = arith.constant 0 : i32
      %dma_wait3A_387 = tpu.memref_slice %arg6[%dma_wait3A_386] : memref<1000000xf32, #tpu.memory_space<vmem_shared>> -> memref<1000000xf32, #tpu.memory_space<vmem_shared>>
      tpu.wait_indirect_dma semaphore(%arg15 : memref<!tpu.dma_semaphore, #tpu.memory_space<semaphore_mem>>) src(%dma_wait3A_387 : memref<1000000xf32, #tpu.memory_space<vmem_shared>>) dst(%dma_wait3A_382 : memref<128xf32, #tpu.memory_space<vmem>>)
    }
    %scan3A_352 = arith.constant 40 : i32
    %mul3A_353 = arith.constant 512 : i32
    %mul3A_354 = arith.muli %add3A, %mul3A_353 : i32
    "tpu.region"() ({
      %run_scoped3A = tpu.sem_alloc : memref<!tpu.dma_semaphore, #tpu.memory_space<semaphore_mem>>
      %dma_start3A_355 = tpu.memref_slice %arg5[%mul3A_354] : memref<16384xf32, #tpu.memory_space<hbm>> -> memref<512xf32, #tpu.memory_space<hbm>>
      %dma_start3A_356 = tpu.memref_slice %arg5[%mul3A_354] : memref<16384xf32, #tpu.memory_space<hbm>> -> memref<512xf32, #tpu.memory_space<hbm>>
      tpu.enqueue_dma source(%arg8 : memref<512xf32, #tpu.memory_space<vmem>>) target(%dma_start3A_356 : memref<512xf32, #tpu.memory_space<hbm>>) target_semaphore(%run_scoped3A : memref<!tpu.dma_semaphore, #tpu.memory_space<semaphore_mem>>)
      %dma_wait3A_357 = tpu.memref_slice %arg5[%mul3A_354] : memref<16384xf32, #tpu.memory_space<hbm>> -> memref<512xf32, #tpu.memory_space<hbm>>
      %dma_wait3A_358 = tpu.memref_slice %arg5[%mul3A_354] : memref<16384xf32, #tpu.memory_space<hbm>> -> memref<512xf32, #tpu.memory_space<hbm>>
      tpu.wait_dma2 semaphore(%run_scoped3A : memref<!tpu.dma_semaphore, #tpu.memory_space<semaphore_mem>>) src(%arg8 : memref<512xf32, #tpu.memory_space<vmem>>) dst(%dma_wait3A_358 : memref<512xf32, #tpu.memory_space<hbm>>)
      tpu.yield
    }) : () -> ()
    return
  }
}

</mosaic_0001>

<sc_bundles>
// kernel: kernel.3.cloned.1.call-start
scs
__scs_entry_jumppad:
0x0: {  	(pc) =	sbr.rel $0x88, $3  }
0x1: {  	(tag) =	ssettag $0x0;
	lr =	simm.s32 $0x1  }
0x2: {  	[smem:$0x3F9E] =	sst lr;
	_ =	strace $0xD0000000  }
0x3: {  	_ = 	snop  }
0x4: {  	_ = 	snop  }
0x5: {  	_ = 	snop  }
0x6: {  	_ = 	snop  }
0x7: {  	_ = 	snop  }
__scs_overlays_trampoline_lowered:
0x8: {  	[smem:$0x3FAD] =	sst s0  }
0x9: {  	[smem:$0x3FAE] =	sst s1  }
0xa: {  	[smem:$0x3FAF] =	sst s2  }
0xb: {  	[smem:$0x3FB0] =	sst s3  }
0xc: {  	[smem:$0x3FB1] =	sst s4  }
0xd: {  	[smem:$0x3FB2] =	sst s5  }
0xe: {  	[smem:$0x3FB3] =	sst s6  }
0xf: {  	[smem:$0x3FB4] =	sst s7  }
0x10: {  	[smem:$0x3FB5] =	sst s8  }
0x11: {  	[smem:$0x3FB6] =	sst s9;
	s0 =	simm.s32 @!p0 $0x0  }
0x12: {  	s1 =	sld [smem:$0x3F9C];
	s0 =	simm.s32 @p0 $0x1  }
0x13: {  	[smem:$0x3FB7] =	sst s0;
	s0 =	simm.s32 @!p1 $0x0  }
0x14: {  	s2 =	sld [smem:$0x3F9B];
	s0 =	simm.s32 @p1 $0x1  }
0x15: {  	[smem:$0x3FB8] =	sst s0;
	s0 =	simm.s32 @!p2 $0x0  }
0x16: {  	s3 =	sld [smem:$0x3FDB];
	s0 =	simm.s32 @p2 $0x1  }
0x17: {  	s4 =	simm.s32 $0x1BF5;
	[smem:$0x3FBA] =	sst s0  }
0x18: {  	s0 =	sld [smem:$0x3F9D];
	_ =	swait.ge [sflag:s4], $0x0  }
0x19: {  	s7 =	sld [smem:$0x3F9E]  }
0x1a: {  	s8 =	sadd.s32 $0xFFFFE003, lr  }
0x1b: {  	s9 =	sadd.s32 $0xFFFFFEF7, lr;
	s5 =	simm.s32 $0xFFFFFFFF;
	p2 =	slt.u32 s8, $0xFFFFF086  }
0x1c: {  	p1 =	slt.u32 s9, $0xF7A;
	s5 =	simm.s32 @!p2 $0x0  }
0x1d: {  	s5 =	simm.s32 @p1 $0x1;
	p0 =	seq.s32 s7, s2  }
0x1e: {  	s7 =	smul.u32 @!p0 $0xF7A, s2;
	p2 =	seq.s32 @!p0 s5, $0x0  }
0x1f: {  	s9 =	smul.u32 $0xF7A, s1;
	s8 =	simm.s32 @!p0 $0x1BF5;
	p2 =	por !p2, p0  }
0x20: {  	[sflag:s8] =	ssyncset.s32 @!p0 $0xFFFFF086;
	s6 =	sadd.s32 @!p0 s3, s7;
	s7 =	simm.s32 @!p0 $0x108  }
0x21: {  	s3 =	sadd.s32 s3, s9;
	s6 =	sadd.s32 @!p0 $0x88, s6;
	s7 =	simm.s32 @p2 $0x1082  }
0x22: {  	[simem:s7], [sflag:s8] =	dma.local @!p0 [hbm:s6], $0xF7A  }
0x23: {  	s9 =	sor.u32 $0xD0000000, s2;
	s6 =	simm.s32 $0x108;
	_ =	swait.ge @!p0 [sflag:s8], $0x0  }
0x24: {  	s3 =	sadd.s32 $0x88, s3;
	s6 =	simm.s32 @!p1 $0x1082;
	[sflag:s4] =	ssyncset.s32 $0xFFFFF086  }
0x25: {  	[simem:s6], [sflag:s4] =	dma.local [hbm:s3], $0xF7A  }
0x26: {  	[smem:$0x3F9E] =	sst s1;
	(tag) =	ssettag s2;
	_ =	strace s9  }
0x27: {  	s1 =	sld [smem:$0x3FAE]  }
0x28: {  	s2 =	sld [smem:$0x3FAF]  }
0x29: {  	s4 =	sld [smem:$0x3FB1]  }
0x2a: {  	p0 =	seq.s32 s5, $0x0;
	s5 =	sld [smem:$0x3FB2]  }
0x2b: {  	s6 =	sld [smem:$0x3FB3]  }
0x2c: {  	s7 =	sld [smem:$0x3FB4]  }
0x2d: {  	s3 =	simm.s32 $0x108;
	s8 =	sld [smem:$0x3FB5]  }
0x2e: {  	s3 =	simm.s32 @!p0 $0x1082;
	s9 =	sld [smem:$0x3FB6]  }
0x2f: {  	lr =	sadd.s32 s0, s3;
	s0 =	sld [smem:$0x3FAD]  }
0x30: {  	s3 =	sld [smem:$0x3FB0]  }
0x31: {  	[smem:$0x3FB9] =	sst s10  }
0x32: {  	s10 =	sld [smem:$0x3FB7];
	_ =	sdelay $0x3  }
0x33: {  	p0 =	seq.s32 s10, $0x1;
	s10 =	sld [smem:$0x3FB9];
	_ =	sdelay $0x3  }
0x34: {  	[smem:$0x3FB9] =	sst s10  }
0x35: {  	s10 =	sld [smem:$0x3FB8];
	_ =	sdelay $0x3  }
0x36: {  	p1 =	seq.s32 s10, $0x1;
	s10 =	sld [smem:$0x3FB9];
	_ =	sdelay $0x3  }
0x37: {  	[smem:$0x3FB9] =	sst s10  }
0x38: {  	s10 =	sld [smem:$0x3FBA]  }
0x39: {  	_ = 	snop;
	(pc) =	sbr.ind lr, $3  }
0x3a: {  	_ = 	snop  }
0x3b: {  	_ = 	snop  }
0x3c: {  	p2 =	seq.s32 s10, $0x1;
	s10 =	sld [smem:$0x3FB9]  }
0x3d: {  	_ =	shalt  }
0x3e: {  	_ =	shalt  }
0x3f: {  	_ =	shalt  }
0x40: {  	_ =	shalt  }
0x41: {  	_ =	shalt  }
0x42: {  	_ =	shalt  }
0x43: {  	_ =	shalt  }
0x44: {  	_ =	shalt  }
0x45: {  	_ =	shalt  }
0x46: {  	_ =	shalt  }
0x47: {  	_ =	shalt  }
0x48: {  	_ =	shalt  }
0x49: {  	_ =	shalt  }
0x4a: {  	_ =	shalt  }
0x4b: {  	_ =	shalt  }
0x4c: {  	_ =	shalt  }
0x4d: {  	_ =	shalt  }
0x4e: {  	_ =	shalt  }
0x4f: {  	_ =	shalt  }
0x50: {  	_ =	shalt  }
0x51: {  	_ =	shalt  }
0x52: {  	_ =	shalt  }
0x53: {  	_ =	shalt  }
0x54: {  	_ =	shalt  }
0x55: {  	_ =	shalt  }
0x56: {  	_ =	shalt  }
0x57: {  	_ =	shalt  }
0x58: {  	_ =	shalt  }
0x59: {  	_ =	shalt  }
0x5a: {  	_ =	shalt  }
0x5b: {  	_ =	shalt  }
0x5c: {  	_ =	shalt  }
0x5d: {  	_ =	shalt  }
0x5e: {  	_ =	shalt  }
0x5f: {  	_ =	shalt  }
0x60: {  	_ =	shalt  }
0x61: {  	_ =	shalt  }
0x62: {  	_ =	shalt  }
0x63: {  	_ =	shalt  }
0x64: {  	_ =	shalt  }
0x65: {  	_ =	shalt  }
0x66: {  	_ =	shalt  }
0x67: {  	_ =	shalt  }
0x68: {  	_ =	shalt  }
0x69: {  	_ =	shalt  }
0x6a: {  	_ =	shalt  }
0x6b: {  	_ =	shalt  }
0x6c: {  	_ =	shalt  }
0x6d: {  	_ =	shalt  }
0x6e: {  	_ =	shalt  }
0x6f: {  	_ =	shalt  }
0x70: {  	_ =	shalt  }
0x71: {  	_ =	shalt  }
0x72: {  	_ =	shalt  }
0x73: {  	_ =	shalt  }
0x74: {  	_ =	shalt  }
0x75: {  	_ =	shalt  }
0x76: {  	_ =	shalt  }
0x77: {  	_ =	shalt  }
0x78: {  	_ =	shalt  }
0x79: {  	_ =	shalt  }
0x7a: {  	_ =	shalt  }
0x7b: {  	_ =	shalt  }
0x7c: {  	_ =	shalt  }
0x7d: {  	_ =	shalt  }
0x7e: {  	_ =	shalt  }
0x7f: {  	_ =	shalt  }
0x80: {  	_ =	shalt  }
0x81: {  	_ =	shalt  }
0x82: {  	_ =	shalt  }
0x83: {  	_ =	shalt  }
0x84: {  	_ =	shalt  }
0x85: {  	_ =	shalt  }
0x86: {  	_ =	shalt  }
0x87: {  	_ =	shalt  }
.Lfunc_end0:
.L_simem_size_0:
called_computation_lowered:
.L_overlay_start_0:
0x88: {  	s2 =	sld [smem:$0x3FD9]  }
0x89: {  	s3 =	sld [smem:$0x3FFE];
	_ =	sdelay $0x1  }
0x8a: {  	s1 =	srdreg.scid  }
0x8b: {  	s0 =	sand.u32 $0x1, s1  }
0x8c: {  	s18 =	sshll.u32 s0, $0xA;
	s2 =	sadd.s32 s3, s2  }
0x8d: {  	s2 =	sadd.s32 s2, s18  }
0x8e: {  	[smem:$0x3FC5] =	sst s2  }
0x8f: {  	_ = 	snop  }
0x90: {  	s2 =	sld [smem:$0x3FC9]  }
0x91: {  	s19 =	sld [smem:$0x3FC8]  }
0x92: {  	s4 =	sld [smem:$0x3FC7]  }
0x93: {  	s5 =	sld [smem:$0x3FD0];
	(tm) =	ssettm $0x1  }
0x94: {  	s6 =	sld [smem:$0x3FFB];
	_ =	sdelay $0x3  }
0x95: {  	_ =	strace s6  }
0x96: {  	s6 =	sld [smem:$0x3FFC];
	_ =	sdelay $0x3  }
0x97: {  	_ =	strace s6  }
0x98: {  	s6 =	sld [smem:$0x3FFD];
	_ =	sdelay $0x3  }
0x99: {  	_ =	strace s6  }
0x9a: {  	_ =	strace $0x8FFFFFFF  }
0x9b: {  	s20 =	sld [smem:$0x3FDB];
	_ =	sdelay $0x1  }
0x9c: {  	s7 =	simm.s32 $_scs_section_size  }
0x9d: {  	s8 =	simm.s32 $_size__tile_overlayer_lowered;
	s9 =	simm.s32 $_tile_overlayer_lowered  }
0x9e: {  	s23 =	simm.s32 $0x1BFF;
	s22 =	sshll.u32 s9, $0x1;
	s6 =	sadd.s32 s7, s20  }
0x9f: {  	s10 =	simm.s32 $0x0;
	s21 =	sshll.u32 s8, $0x1;
	s8 =	sadd.s32 s22, s6  }
0xa0: {  	[timem:s10], [sflag:s23] =	dma.local [hbm:s8], s21  }
0xa1: {  	_ =	swait.ge [sflag:s23], s21  }
0xa2: {  	s7 =	ssub.s32 $0x0, s21;
	[sflag:s23] =	ssyncset.done $0x0  }
0xa3: {  	[sflag:s23] =	ssyncadd.s32 s7;
	_ =	sdelay $0x1  }
0xa4: {  	s24 =	simm.s32 $0x1B8B  }
0xa5: {  	_ =	swait.ge [sflag:s24], $0x1  }
0xa6: {  	[sflag:s24] =	ssyncset.done $0x0  }
0xa7: {  	s25 =	simm.s32 $0x1B8E;
	[sflag:s24] =	ssyncadd.s32 $0xFFFFFFFF  }
0xa8: {  	s26 =	simm.s32 $execute0_lowered;
	[smem:$0x3FD2] =	sst s25  }
0xa9: {  	s7 =	sshll.u32 s26, $0x1;
	_ =	strace $0x80000046;
	[dreg:$0x1] =	wrdreg $0xFFFFFFFF  }
0xaa: {  	s28 =	simm.s32 $_size_execute0_lowered;
	s6 =	sadd.s32 s6, s7;
	[dreg:$0x0] =	wrdreg $0x0  }
0xab: {  	s7 =	sshll.u32 s28, $0x1;
	[dreg:$0x2] =	wrdreg s6  }
0xac: {  	[dreg:$0x3] =	wrdreg s7  }
0xad: {  	[dreg:$0x4] =	wrdreg $0xC0  }
0xae: {  	_ =	task [dreg:s10], $0x5FFFF  }
0xaf: {  	[dreg:$0x1] =	wrdreg $0xFFFFFFFF  }
0xb0: {  	[dreg:$0x0] =	wrdreg $0x60  }
0xb1: {  	[dreg:$0x2] =	wrdreg s2  }
0xb2: {  	[dreg:$0x3] =	wrdreg s19  }
0xb3: {  	[dreg:$0x4] =	wrdreg s4  }
0xb4: {  	[dreg:$0x5] =	wrdreg s5  }
0xb5: {  	[dreg:$0x6] =	wrdreg $0x0  }
0xb6: {  	[dreg:$0x7] =	wrdreg $0x9  }
0xb7: {  	_ =	task.clear_ibuf [dreg:s10], $0x8FFFF;
	_ =	strace $0x90000046  }
0xb8: {  	s29 =	simm.s32 $0x9;
	_ =	strace $0x80000048  }
0xb9: {  	_ =	swait.ge [sflag:s29], $0x1  }
0xba: {  	[sflag:s29] =	ssyncadd.s32 $0xFFFFFFFF  }
0xbb: {  	_ =	strace $0x90000048  }
0xbc: {  	_ =	sfence  }
0xbd: {  	s30 =	sld [smem:$0x0];
	_ =	sdelay $0x2  }
0xbe: {  	s31 =	sshll.u32 s1, $0xD;
	s1 =	sshrl.u32 s1, $0x2  }
0xbf: {  	s3 =	sand.u32 $0x4000, s31;
	s1 =	sadd.s32 s1, s30  }
0xc0: {  	s0 =	sor.u32 s3, s0;
	s1 =	sshll.u32 s1, $0x11  }
0xc1: {  	s0 =	sor.u32 s1, s0  }
0xc2: {  	s0 =	sadd.s32 $0x8F2B, s0  }
0xc3: {  	[sflag:s0] =	ssyncadd.remote.s32 $0x1  }
0xc4: {  	_ =	sfence.sel $0xFFFF  }
0xc5: {  	[dreg:$0x0] =	wrdreg $0xFFFFFFFF;
	(pc) =	sbr.abs _section_cstart, $3  }
0xc6: {  	[dreg:$0x1] =	wrdreg $0xFFFFFFFF  }
0xc7: {  	_ =	task.clear_ibuf [dreg:s10], $0x2FFFF;
	_ =	strace $0x9FFFFFFF  }
0xc8: {  	(tm) =	ssettm $0x7FFFFFFF  }
0xc9: {  	_ =	shalt  }
tec
execute0_lowered:
.L_overlay_start_1:
0x0: {  	(tag) =	ssettag $0x1  }
0x1: {  	s0 =	rddreg [dreg:$0x0]  }
0x2: {  	s1 =	rddreg [dreg:$0x3]  }
0x3: {  	s2 =	srdreg.scid;
	s3 =	rddreg [dreg:$0x4]  }
0x4: {  	s12 =	stileid.u32;
	s4 =	simm.s32 $0x0;
	s13 =	simm.s32 $0x20000  }
0x5: {  	s14 =	simm.s32 $0xF428;
	s15 =	simm.s32 $0x14428;
	s18 =	simm.s32 $0x7  }
0x6: {  	s19 =	simm.s32 $0x1;
	s20 =	simm.s32 $0x80;
	s21 =	simm.s32 $0x1E428  }
0x7: {  	s22 =	simm.s32 $0x1E4A8;
	s28 =	simm.s32 $0x6;
	s29 =	simm.s32 $0x3  }
0x8: {  	s30 =	simm.s32 $0x4;
	s31 =	simm.s32 $0x5;
	s2 =	sand.u32 $0x1, s2  }
0x9: {  	s6 =	sshll.u32 s12, $0x9;
	[smem:$0x7FF] =	sst s4;
	p0 =	sne.s32 s12, $0x0  }
0xa: {  	s12 =	simm.s32 $0x1000;
	s5 =	sshll.u32 s2, $0xD;
	s2 =	ssub.s32 $0x2, s2  }
0xb: {  	_ =	strace $0x80000047;
	s9 =	sor.u32 s6, s5;
	s23 =	sshrl.u32 s2, $0x1  }
0xc: {  	s16 =	sshrl.u32 @!p0 s3, $0x3;
	s5 =	sadd.s32 s0, s9;
	s24 =	ssub.s32 s2, s23  }
0xd: {  	s26 =	sshrl.u32 s9, $0x3;
	s23 =	simm.s32 $0x1E528;
	s2 =	simm.s32 $0x0  }
0xe: {  	s25 =	sadd.s32 $0x14000, s5;
	s7 =	sadd.s32 $0x28000, s5;
	s8 =	sadd.s32 $0x3C000, s5  }
0xf: {  	s9 =	sadd.s32 $0x50000, s5;
	s10 =	sadd.s32 s1, s26;
	s11 =	smax.u32 s24, $0x1  }
0x10: {  	v0 =	vimm.f32 $0.0e+00;
	v1 =	vimm.s32 $0x0;
	s24 =	simm.s32 $0x1E5A8;
	s26 =	simm.s32 $0x2;
	[dreg:$0x6] =	wrdreg s25  }
.LBB2_1:
0x11: {  	[tilespmem:s14], [sflag:$0x1] =	stream.strided.gather [hbm4b:s5+s12], $0x5000, s13, s12, $0x38;
	[tilespmem:$0x1E6A8] =	vst v63  }
0x12: {  	s0 =	rddreg [dreg:$0x6]  }
0x13: {  	[tilespmem:s15], [sflag:$0x2] =	stream.strided.gather [hbm4b:s0+s12], $0x5000, s13, s12, $0x38;
	[tilespmem:$0x1E6A8] =	vst v63  }
0x14: {  	s1 =	rddreg [dreg:$0x1];
	s0 =	simm.s32 @!p0 $0x1C07  }
0x15: {  	[spmem:s16], [sflag:s0] =	dma.local @!p0 [hbm:s1], $0x1E850  }
0x16: {  	s0 =	simm.s32 @!p0 $0x7  }
0x17: {  	_ =	swait.ge @!p0 [sflag:s0], $0x1E850  }
0x18: {  	[sflag:s0] =	ssyncset.done @!p0 $0x0  }
0x19: {  	[sflag:s0] =	ssyncadd.s32 @!p0 $0xFFFE17B0  }
0x1a: {  	s6 =	simm.s32 $0x1E628;
	[tilespmem:$0x1E628] =	vst v0;
	s0 =	rddreg [dreg:$0x2]  }
0x1b: {  	[tilespmem:s6], [sflag:$0x7] =	stream.linear.gather [hbm4b:s0+s4], $0x1, $0x38;
	[tilespmem:$0x1E6A8] =	vst v63  }
0x1c: {  	_ =	swait.ge [sflag:s18], $0x1  }
0x1d: {  	[sflag:s18] =	ssyncset.done $0x0  }
0x1e: {  	[sflag:s18] =	ssyncadd.s32 $0xFFFFFFFF  }
0x1f: {  	v2 =	vld [tilespmem:$0x1E628];
	_ =	sdelay $0x4  }
0x20: {  	v2 =	vperm.xlane v2, v1;
	_ =	sdelay $0x1  }
0x21: {  	[tilespmem:$0x1E428] =	vst v2  }
0x22: {  	[tilespmem:$0x1E438] =	vst v2  }
0x23: {  	[tilespmem:$0x1E448] =	vst v2  }
0x24: {  	[tilespmem:$0x1E458] =	vst v2  }
0x25: {  	[tilespmem:$0x1E468] =	vst v2  }
0x26: {  	[tilespmem:$0x1E478] =	vst v2  }
0x27: {  	[tilespmem:$0x1E488] =	vst v2  }
0x28: {  	[tilespmem:$0x1E498] =	vst v2  }
0x29: {  	[tilespmem:$0x1E4A8] =	vst v2  }
0x2a: {  	[tilespmem:$0x1E4B8] =	vst v2  }
0x2b: {  	[tilespmem:$0x1E4C8] =	vst v2  }
0x2c: {  	[tilespmem:$0x1E4D8] =	vst v2  }
0x2d: {  	[tilespmem:$0x1E4E8] =	vst v2  }
0x2e: {  	[tilespmem:$0x1E4F8] =	vst v2  }
0x2f: {  	[tilespmem:$0x1E508] =	vst v2  }
0x30: {  	[tilespmem:$0x1E518] =	vst v2  }
0x31: {  	[tilespmem:$0x1E528] =	vst v2  }
0x32: {  	[tilespmem:$0x1E538] =	vst v2  }
0x33: {  	[tilespmem:$0x1E548] =	vst v2  }
0x34: {  	[tilespmem:$0x1E558] =	vst v2  }
0x35: {  	[tilespmem:$0x1E568] =	vst v2  }
0x36: {  	[tilespmem:$0x1E578] =	vst v2  }
0x37: {  	[tilespmem:$0x1E588] =	vst v2  }
0x38: {  	[tilespmem:$0x1E598] =	vst v2  }
0x39: {  	[tilespmem:$0x1E5A8] =	vst v2  }
0x3a: {  	[tilespmem:$0x1E5B8] =	vst v2  }
0x3b: {  	[tilespmem:$0x1E5C8] =	vst v2  }
0x3c: {  	[tilespmem:$0x1E5D8] =	vst v2  }
0x3d: {  	[tilespmem:$0x1E5E8] =	vst v2  }
0x3e: {  	[tilespmem:$0x1E5F8] =	vst v2  }
0x3f: {  	[tilespmem:$0x1E608] =	vst v2  }
0x40: {  	[tilespmem:$0x1E618] =	vst v2  }
0x41: {  	[bflag:$0x0] =	sbarrier.arrive $0xFFFF  }
0x42: {  	s17 =	sand.u32 $0x7000, s4;
	s25 =	sand.u32 $0x380, s4;
	_ =	swait.ge [sflag:s19], $0x5000  }
0x43: {  	s17 =	sor.u32 s25, s17;
	[sflag:s19] =	ssyncset.done $0x0  }
0x44: {  	s1 =	simm.s32 $0x0;
	s0 =	simm.s32 $0x200;
	[sflag:s19] =	ssyncadd.s32 $0xFFFFB000  }
.LBB2_2:
0x45: {  	p1 =	sne.s32 s0, $0x4E00;
	s25 =	sadd.s32 $0xF428, s17  }
0x46: {  	[tilespmem:s21], [sflag:$0x6] =	stream.indirect.gather.add.f32 [spmem:s3], $0x1, s25, s20, $0xb8;
	[tilespmem:$0x1E6A8] =	vst v63  }
0x47: {  	s6 =	sadd.s32 $0xF828, s17  }
0x48: {  	[tilespmem:s22], [sflag:$0x6] =	stream.indirect.gather.add.f32 [spmem:s3], $0x1, s6, s20, $0xb8;
	[tilespmem:$0x1E6A8] =	vst v63  }
.Ltmp0:
0x49: {  	s1 =	sadd.s32 $0x80, s1;
	s6 =	sadd.s32 $0xFC28, s17;
	(pc) =	sbr.rel @p1 .LBB2_2-.Ltmp0, $4  }
0x4a: {  	[tilespmem:s23], [sflag:$0x6] =	stream.indirect.gather.add.f32 [spmem:s3], $0x1, s6, s20, $0xb8;
	[tilespmem:$0x1E6A8] =	vst v63  }
0x4b: {  	s25 =	sadd.s32 $0xC00, s25;
	s17 =	sand.u32 $0x380, s1;
	s6 =	sand.u32 $0x7000, s0  }
0x4c: {  	[tilespmem:s24], [sflag:$0x6] =	stream.indirect.gather.add.f32 [spmem:s3], $0x1, s25, s20, $0xb8;
	[tilespmem:$0x1E6A8] =	vst v63  }
0x4d: {  	s0 =	sadd.s32 $0x200, s0;
	s17 =	sor.u32 s17, s6  }
0x4e: {  	s0 =	sadd.s32 $0xF428, s17  }
0x4f: {  	[tilespmem:s21], [sflag:$0x6] =	stream.indirect.gather.add.f32 [spmem:s3], $0x1, s0, s20, $0xb8;
	[tilespmem:$0x1E6A8] =	vst v63  }
0x50: {  	s1 =	sadd.s32 $0xF828, s17  }
0x51: {  	[tilespmem:s22], [sflag:$0x6] =	stream.indirect.gather.add.f32 [spmem:s3], $0x1, s1, s20, $0xb8;
	[tilespmem:$0x1E6A8] =	vst v63  }
0x52: {  	s6 =	sadd.s32 $0xFC28, s17  }
0x53: {  	[tilespmem:s23], [sflag:$0x6] =	stream.indirect.gather.add.f32 [spmem:s3], $0x1, s6, s20, $0xb8;
	[tilespmem:$0x1E6A8] =	vst v63  }
0x54: {  	s0 =	sadd.s32 $0xC00, s0  }
0x55: {  	[tilespmem:s24], [sflag:$0x6] =	stream.indirect.gather.add.f32 [spmem:s3], $0x1, s0, s20, $0xb8;
	[tilespmem:$0x1E6A8] =	vst v63  }
0x56: {  	s17 =	simm.s32 $0x19428  }
0x57: {  	[tilespmem:s17], [sflag:$0x3] =	stream.strided.gather [hbm4b:s7+s12], $0x5000, s13, s12, $0x38;
	[tilespmem:$0x1E6A8] =	vst v63  }
0x58: {  	s0 =	simm.s32 $0x0;
	_ =	swait.ge [sflag:s26], $0x5000  }
0x59: {  	s25 =	sand.u32 $0x7000, s0;
	s6 =	sand.u32 $0x380, s0;
	[sflag:s26] =	ssyncset.done $0x0  }
0x5a: {  	s1 =	sor.u32 s6, s25;
	s17 =	simm.s32 $0x200;
	[sflag:s26] =	ssyncadd.s32 $0xFFFFB000  }
.LBB2_4:
0x5b: {  	p1 =	sne.s32 s17, $0x4E00;
	s6 =	sadd.s32 $0x14428, s1  }
0x5c: {  	[tilespmem:s21], [sflag:$0x6] =	stream.indirect.gather.add.f32 [spmem:s3], $0x1, s6, s20, $0xb8;
	[tilespmem:$0x1E6A8] =	vst v63  }
0x5d: {  	s6 =	sadd.s32 $0x14828, s1  }
0x5e: {  	[tilespmem:s22], [sflag:$0x6] =	stream.indirect.gather.add.f32 [spmem:s3], $0x1, s6, s20, $0xb8;
	[tilespmem:$0x1E6A8] =	vst v63  }
.Ltmp1:
0x5f: {  	s0 =	sadd.s32 $0x80, s0;
	s6 =	sadd.s32 $0x14C28, s1;
	(pc) =	sbr.rel @p1 .LBB2_4-.Ltmp1, $4  }
0x60: {  	[tilespmem:s23], [sflag:$0x6] =	stream.indirect.gather.add.f32 [spmem:s3], $0x1, s6, s20, $0xb8;
	[tilespmem:$0x1E6A8] =	vst v63  }
0x61: {  	s25 =	sand.u32 $0x380, s0;
	s1 =	sadd.s32 $0x15028, s1;
	s6 =	sand.u32 $0x7000, s17  }
0x62: {  	[tilespmem:s24], [sflag:$0x6] =	stream.indirect.gather.add.f32 [spmem:s3], $0x1, s1, s20, $0xb8;
	[tilespmem:$0x1E6A8] =	vst v63  }
0x63: {  	s17 =	sadd.s32 $0x200, s17;
	s1 =	sor.u32 s25, s6  }
0x64: {  	s0 =	sadd.s32 $0x14428, s1  }
0x65: {  	[tilespmem:s21], [sflag:$0x6] =	stream.indirect.gather.add.f32 [spmem:s3], $0x1, s0, s20, $0xb8;
	[tilespmem:$0x1E6A8] =	vst v63  }
0x66: {  	s6 =	sadd.s32 $0x14828, s1  }
0x67: {  	[tilespmem:s22], [sflag:$0x6] =	stream.indirect.gather.add.f32 [spmem:s3], $0x1, s6, s20, $0xb8;
	[tilespmem:$0x1E6A8] =	vst v63  }
0x68: {  	s17 =	sadd.s32 $0x14C28, s1  }
0x69: {  	[tilespmem:s23], [sflag:$0x6] =	stream.indirect.gather.add.f32 [spmem:s3], $0x1, s17, s20, $0xb8;
	[tilespmem:$0x1E6A8] =	vst v63  }
0x6a: {  	s25 =	sadd.s32 $0x15028, s1  }
0x6b: {  	[tilespmem:s24], [sflag:$0x6] =	stream.indirect.gather.add.f32 [spmem:s3], $0x1, s25, s20, $0xb8;
	[tilespmem:$0x1E6A8] =	vst v63  }
0x6c: {  	_ =	swait.ge [sflag:s28], $0x80  }
0x6d: {  	[sflag:s28] =	ssyncset.done $0x0  }
0x6e: {  	[sflag:s28] =	ssyncadd.s32 $0xFFFFFF80  }
0x6f: {  	_ =	swait.ge [sflag:s28], $0x80  }
0x70: {  	[sflag:s28] =	ssyncset.done $0x0  }
0x71: {  	[sflag:s28] =	ssyncadd.s32 $0xFFFFFF80  }
0x72: {  	_ =	swait.ge [sflag:s28], $0x80  }
0x73: {  	[sflag:s28] =	ssyncset.done $0x0  }
0x74: {  	[sflag:s28] =	ssyncadd.s32 $0xFFFFFF80  }
0x75: {  	_ =	swait.ge [sflag:s28], $0x80  }
0x76: {  	s0 =	simm.s32 $0x27;
	[sflag:s28] =	ssyncset.done $0x0  }
.LBB2_6:
0x77: {  	p1 =	sne.s32 s0, $0x1;
	s0 =	sadd.s32 $0xFFFFFFFF, s0;
	[sflag:s28] =	ssyncadd.s32 $0xFFFFFF80  }
0x78: {  	_ =	swait.ge [sflag:s28], $0x80  }
0x79: {  	[sflag:s28] =	ssyncset.done $0x0  }
0x7a: {  	[sflag:s28] =	ssyncadd.s32 $0xFFFFFF80  }
0x7b: {  	_ =	swait.ge [sflag:s28], $0x80  }
0x7c: {  	[sflag:s28] =	ssyncset.done $0x0  }
0x7d: {  	[sflag:s28] =	ssyncadd.s32 $0xFFFFFF80  }
.Ltmp2:
0x7e: {  	_ =	swait.ge [sflag:s28], $0x80;
	(pc) =	sbr.rel @p1 .LBB2_6-.Ltmp2, $4  }
0x7f: {  	[sflag:s28] =	ssyncset.done $0x0  }
0x80: {  	[sflag:s28] =	ssyncadd.s32 $0xFFFFFF80  }
0x81: {  	_ =	swait.ge [sflag:s28], $0x80  }
0x82: {  	[sflag:s28] =	ssyncset.done $0x0  }
0x83: {  	[sflag:s28] =	ssyncadd.s32 $0xFFFFFF80  }
0x84: {  	[tilespmem:s14], [sflag:$0x4] =	stream.strided.gather [hbm4b:s8+s12], $0x5000, s13, s12, $0x38;
	[tilespmem:$0x1E6A8] =	vst v63  }
0x85: {  	s0 =	simm.s32 $0x0;
	_ =	swait.ge [sflag:s29], $0x5000  }
0x86: {  	s1 =	sand.u32 $0x7000, s0;
	s6 =	sand.u32 $0x380, s0;
	[sflag:s29] =	ssyncset.done $0x0  }
0x87: {  	s17 =	simm.s32 $0x200;
	s1 =	sor.u32 s6, s1;
	[sflag:s29] =	ssyncadd.s32 $0xFFFFB000  }
.LBB2_8:
0x88: {  	p1 =	sne.s32 s17, $0x4E00;
	s6 =	sadd.s32 $0x19428, s1  }
0x89: {  	[tilespmem:s21], [sflag:$0x6] =	stream.indirect.gather.add.f32 [spmem:s3], $0x1, s6, s20, $0xb8;
	[tilespmem:$0x1E6A8] =	vst v63  }
0x8a: {  	s6 =	sadd.s32 $0x19828, s1  }
0x8b: {  	[tilespmem:s22], [sflag:$0x6] =	stream.indirect.gather.add.f32 [spmem:s3], $0x1, s6, s20, $0xb8;
	[tilespmem:$0x1E6A8] =	vst v63  }
.Ltmp3:
0x8c: {  	s0 =	sadd.s32 $0x80, s0;
	s6 =	sadd.s32 $0x19C28, s1;
	(pc) =	sbr.rel @p1 .LBB2_8-.Ltmp3, $4  }
0x8d: {  	[tilespmem:s23], [sflag:$0x6] =	stream.indirect.gather.add.f32 [spmem:s3], $0x1, s6, s20, $0xb8;
	[tilespmem:$0x1E6A8] =	vst v63  }
0x8e: {  	s25 =	sand.u32 $0x380, s0;
	s1 =	sadd.s32 $0x1A028, s1;
	s6 =	sand.u32 $0x7000, s17  }
0x8f: {  	[tilespmem:s24], [sflag:$0x6] =	stream.indirect.gather.add.f32 [spmem:s3], $0x1, s1, s20, $0xb8;
	[tilespmem:$0x1E6A8] =	vst v63  }
0x90: {  	s17 =	sadd.s32 $0x200, s17;
	s1 =	sor.u32 s25, s6  }
0x91: {  	s0 =	sadd.s32 $0x19428, s1  }
0x92: {  	[tilespmem:s21], [sflag:$0x6] =	stream.indirect.gather.add.f32 [spmem:s3], $0x1, s0, s20, $0xb8;
	[tilespmem:$0x1E6A8] =	vst v63  }
0x93: {  	s6 =	sadd.s32 $0x19828, s1  }
0x94: {  	[tilespmem:s22], [sflag:$0x6] =	stream.indirect.gather.add.f32 [spmem:s3], $0x1, s6, s20, $0xb8;
	[tilespmem:$0x1E6A8] =	vst v63  }
0x95: {  	s17 =	sadd.s32 $0x19C28, s1  }
0x96: {  	[tilespmem:s23], [sflag:$0x6] =	stream.indirect.gather.add.f32 [spmem:s3], $0x1, s17, s20, $0xb8;
	[tilespmem:$0x1E6A8] =	vst v63  }
0x97: {  	s25 =	sadd.s32 $0x1A028, s1  }
0x98: {  	[tilespmem:s24], [sflag:$0x6] =	stream.indirect.gather.add.f32 [spmem:s3], $0x1, s25, s20, $0xb8;
	[tilespmem:$0x1E6A8] =	vst v63  }
0x99: {  	_ =	swait.ge [sflag:s28], $0x80  }
0x9a: {  	[sflag:s28] =	ssyncset.done $0x0  }
0x9b: {  	[sflag:s28] =	ssyncadd.s32 $0xFFFFFF80  }
0x9c: {  	_ =	swait.ge [sflag:s28], $0x80  }
0x9d: {  	[sflag:s28] =	ssyncset.done $0x0  }
0x9e: {  	[sflag:s28] =	ssyncadd.s32 $0xFFFFFF80  }
0x9f: {  	_ =	swait.ge [sflag:s28], $0x80  }
0xa0: {  	[sflag:s28] =	ssyncset.done $0x0  }
0xa1: {  	[sflag:s28] =	ssyncadd.s32 $0xFFFFFF80  }
0xa2: {  	_ =	swait.ge [sflag:s28], $0x80  }
0xa3: {  	s0 =	simm.s32 $0x27;
	[sflag:s28] =	ssyncset.done $0x0  }
.LBB2_10:
0xa4: {  	p1 =	sne.s32 s0, $0x1;
	s0 =	sadd.s32 $0xFFFFFFFF, s0;
	[sflag:s28] =	ssyncadd.s32 $0xFFFFFF80  }
0xa5: {  	_ =	swait.ge [sflag:s28], $0x80  }
0xa6: {  	[sflag:s28] =	ssyncset.done $0x0  }
0xa7: {  	[sflag:s28] =	ssyncadd.s32 $0xFFFFFF80  }
0xa8: {  	_ =	swait.ge [sflag:s28], $0x80  }
0xa9: {  	[sflag:s28] =	ssyncset.done $0x0  }
0xaa: {  	[sflag:s28] =	ssyncadd.s32 $0xFFFFFF80  }
.Ltmp4:
0xab: {  	_ =	swait.ge [sflag:s28], $0x80;
	(pc) =	sbr.rel @p1 .LBB2_10-.Ltmp4, $4  }
0xac: {  	[sflag:s28] =	ssyncset.done $0x0  }
0xad: {  	[sflag:s28] =	ssyncadd.s32 $0xFFFFFF80  }
0xae: {  	_ =	swait.ge [sflag:s28], $0x80  }
0xaf: {  	[sflag:s28] =	ssyncset.done $0x0  }
0xb0: {  	[sflag:s28] =	ssyncadd.s32 $0xFFFFFF80  }
0xb1: {  	[tilespmem:s15], [sflag:$0x5] =	stream.strided.gather [hbm4b:s9+s12], $0x5000, s13, s12, $0x38;
	[tilespmem:$0x1E6A8] =	vst v63  }
0xb2: {  	s0 =	simm.s32 $0x0;
	_ =	swait.ge [sflag:s30], $0x5000  }
0xb3: {  	s1 =	sand.u32 $0x7000, s0;
	s6 =	sand.u32 $0x380, s0;
	[sflag:s30] =	ssyncset.done $0x0  }
0xb4: {  	s17 =	sor.u32 s6, s1;
	s1 =	simm.s32 $0x200;
	[sflag:s30] =	ssyncadd.s32 $0xFFFFB000  }
.LBB2_12:
0xb5: {  	p1 =	sne.s32 s1, $0x4E00;
	s6 =	sadd.s32 $0xF428, s17  }
0xb6: {  	[tilespmem:s21], [sflag:$0x6] =	stream.indirect.gather.add.f32 [spmem:s3], $0x1, s6, s20, $0xb8;
	[tilespmem:$0x1E6A8] =	vst v63  }
0xb7: {  	s25 =	sadd.s32 $0xF828, s17  }
0xb8: {  	[tilespmem:s22], [sflag:$0x6] =	stream.indirect.gather.add.f32 [spmem:s3], $0x1, s25, s20, $0xb8;
	[tilespmem:$0x1E6A8] =	vst v63  }
.Ltmp5:
0xb9: {  	s17 =	sadd.s32 $0xFC28, s17;
	s0 =	sadd.s32 $0x80, s0;
	(pc) =	sbr.rel @p1 .LBB2_12-.Ltmp5, $4  }
0xba: {  	[tilespmem:s23], [sflag:$0x6] =	stream.indirect.gather.add.f32 [spmem:s3], $0x1, s17, s20, $0xb8;
	[tilespmem:$0x1E6A8] =	vst v63  }
0xbb: {  	s6 =	sadd.s32 $0xC00, s6;
	s25 =	sand.u32 $0x380, s0;
	s17 =	sand.u32 $0x7000, s1  }
0xbc: {  	[tilespmem:s24], [sflag:$0x6] =	stream.indirect.gather.add.f32 [spmem:s3], $0x1, s6, s20, $0xb8;
	[tilespmem:$0x1E6A8] =	vst v63  }
0xbd: {  	s1 =	sadd.s32 $0x200, s1;
	s17 =	sor.u32 s25, s17  }
0xbe: {  	s0 =	sadd.s32 $0xF428, s17  }
0xbf: {  	[tilespmem:s21], [sflag:$0x6] =	stream.indirect.gather.add.f32 [spmem:s3], $0x1, s0, s20, $0xb8;
	[tilespmem:$0x1E6A8] =	vst v63  }
0xc0: {  	s1 =	sadd.s32 $0xF828, s17  }
0xc1: {  	[tilespmem:s22], [sflag:$0x6] =	stream.indirect.gather.add.f32 [spmem:s3], $0x1, s1, s20, $0xb8;
	[tilespmem:$0x1E6A8] =	vst v63  }
0xc2: {  	s25 =	sadd.s32 $0xFC28, s17  }
0xc3: {  	[tilespmem:s23], [sflag:$0x6] =	stream.indirect.gather.add.f32 [spmem:s3], $0x1, s25, s20, $0xb8;
	[tilespmem:$0x1E6A8] =	vst v63  }
0xc4: {  	s0 =	sadd.s32 $0xC00, s0  }
0xc5: {  	[tilespmem:s24], [sflag:$0x6] =	stream.indirect.gather.add.f32 [spmem:s3], $0x1, s0, s20, $0xb8;
	[tilespmem:$0x1E6A8] =	vst v63  }
0xc6: {  	_ =	swait.ge [sflag:s28], $0x80  }
0xc7: {  	[sflag:s28] =	ssyncset.done $0x0  }
0xc8: {  	[sflag:s28] =	ssyncadd.s32 $0xFFFFFF80  }
0xc9: {  	_ =	swait.ge [sflag:s28], $0x80  }
0xca: {  	[sflag:s28] =	ssyncset.done $0x0  }
0xcb: {  	[sflag:s28] =	ssyncadd.s32 $0xFFFFFF80  }
0xcc: {  	_ =	swait.ge [sflag:s28], $0x80  }
0xcd: {  	[sflag:s28] =	ssyncset.done $0x0  }
0xce: {  	[sflag:s28] =	ssyncadd.s32 $0xFFFFFF80  }
0xcf: {  	_ =	swait.ge [sflag:s28], $0x80  }
0xd0: {  	s0 =	simm.s32 $0x27;
	[sflag:s28] =	ssyncset.done $0x0  }
.LBB2_14:
0xd1: {  	p1 =	sne.s32 s0, $0x1;
	s0 =	sadd.s32 $0xFFFFFFFF, s0;
	[sflag:s28] =	ssyncadd.s32 $0xFFFFFF80  }
0xd2: {  	_ =	swait.ge [sflag:s28], $0x80  }
0xd3: {  	[sflag:s28] =	ssyncset.done $0x0  }
0xd4: {  	[sflag:s28] =	ssyncadd.s32 $0xFFFFFF80  }
0xd5: {  	_ =	swait.ge [sflag:s28], $0x80  }
0xd6: {  	[sflag:s28] =	ssyncset.done $0x0  }
0xd7: {  	[sflag:s28] =	ssyncadd.s32 $0xFFFFFF80  }
.Ltmp6:
0xd8: {  	_ =	swait.ge [sflag:s28], $0x80;
	(pc) =	sbr.rel @p1 .LBB2_14-.Ltmp6, $4  }
0xd9: {  	[sflag:s28] =	ssyncset.done $0x0  }
0xda: {  	[sflag:s28] =	ssyncadd.s32 $0xFFFFFF80  }
0xdb: {  	_ =	swait.ge [sflag:s28], $0x80  }
0xdc: {  	[sflag:s28] =	ssyncset.done $0x0  }
0xdd: {  	[sflag:s28] =	ssyncadd.s32 $0xFFFFFF80  }
0xde: {  	s0 =	simm.s32 $0x0;
	_ =	swait.ge [sflag:s31], $0x5000  }
0xdf: {  	s1 =	sand.u32 $0x7000, s0;
	s6 =	sand.u32 $0x380, s0;
	[sflag:s31] =	ssyncset.done $0x0  }
0xe0: {  	s17 =	simm.s32 $0x200;
	s1 =	sor.u32 s6, s1;
	[sflag:s31] =	ssyncadd.s32 $0xFFFFB000  }
.LBB2_16:
0xe1: {  	p1 =	sne.s32 s17, $0x4E00;
	s6 =	sadd.s32 $0x14428, s1  }
0xe2: {  	[tilespmem:s21], [sflag:$0x6] =	stream.indirect.gather.add.f32 [spmem:s3], $0x1, s6, s20, $0xb8;
	[tilespmem:$0x1E6A8] =	vst v63  }
0xe3: {  	s6 =	sadd.s32 $0x14828, s1  }
0xe4: {  	[tilespmem:s22], [sflag:$0x6] =	stream.indirect.gather.add.f32 [spmem:s3], $0x1, s6, s20, $0xb8;
	[tilespmem:$0x1E6A8] =	vst v63  }
.Ltmp7:
0xe5: {  	s0 =	sadd.s32 $0x80, s0;
	s6 =	sadd.s32 $0x14C28, s1;
	(pc) =	sbr.rel @p1 .LBB2_16-.Ltmp7, $4  }
0xe6: {  	[tilespmem:s23], [sflag:$0x6] =	stream.indirect.gather.add.f32 [spmem:s3], $0x1, s6, s20, $0xb8;
	[tilespmem:$0x1E6A8] =	vst v63  }
0xe7: {  	s25 =	sand.u32 $0x380, s0;
	s1 =	sadd.s32 $0x15028, s1;
	s6 =	sand.u32 $0x7000, s17  }
0xe8: {  	[tilespmem:s24], [sflag:$0x6] =	stream.indirect.gather.add.f32 [spmem:s3], $0x1, s1, s20, $0xb8;
	[tilespmem:$0x1E6A8] =	vst v63  }
0xe9: {  	s17 =	sadd.s32 $0x200, s17;
	s1 =	sor.u32 s25, s6  }
0xea: {  	s0 =	sadd.s32 $0x14428, s1  }
0xeb: {  	[tilespmem:s21], [sflag:$0x6] =	stream.indirect.gather.add.f32 [spmem:s3], $0x1, s0, s20, $0xb8;
	[tilespmem:$0x1E6A8] =	vst v63  }
0xec: {  	s6 =	sadd.s32 $0x14828, s1  }
0xed: {  	[tilespmem:s22], [sflag:$0x6] =	stream.indirect.gather.add.f32 [spmem:s3], $0x1, s6, s20, $0xb8;
	[tilespmem:$0x1E6A8] =	vst v63  }
0xee: {  	s17 =	sadd.s32 $0x14C28, s1  }
0xef: {  	[tilespmem:s23], [sflag:$0x6] =	stream.indirect.gather.add.f32 [spmem:s3], $0x1, s17, s20, $0xb8;
	[tilespmem:$0x1E6A8] =	vst v63  }
0xf0: {  	s25 =	sadd.s32 $0x15028, s1  }
0xf1: {  	[tilespmem:s24], [sflag:$0x6] =	stream.indirect.gather.add.f32 [spmem:s3], $0x1, s25, s20, $0xb8;
	[tilespmem:$0x1E6A8] =	vst v63  }
0xf2: {  	_ =	swait.ge [sflag:s28], $0x80  }
0xf3: {  	[sflag:s28] =	ssyncset.done $0x0  }
0xf4: {  	[sflag:s28] =	ssyncadd.s32 $0xFFFFFF80  }
0xf5: {  	_ =	swait.ge [sflag:s28], $0x80  }
0xf6: {  	[sflag:s28] =	ssyncset.done $0x0  }
0xf7: {  	[sflag:s28] =	ssyncadd.s32 $0xFFFFFF80  }
0xf8: {  	_ =	swait.ge [sflag:s28], $0x80  }
0xf9: {  	[sflag:s28] =	ssyncset.done $0x0  }
0xfa: {  	[sflag:s28] =	ssyncadd.s32 $0xFFFFFF80  }
0xfb: {  	_ =	swait.ge [sflag:s28], $0x80  }
0xfc: {  	s0 =	simm.s32 $0x27;
	[sflag:s28] =	ssyncset.done $0x0  }
.LBB2_18:
0xfd: {  	p1 =	sne.s32 s0, $0x1;
	s0 =	sadd.s32 $0xFFFFFFFF, s0;
	[sflag:s28] =	ssyncadd.s32 $0xFFFFFF80  }
0xfe: {  	_ =	swait.ge [sflag:s28], $0x80  }
0xff: {  	[sflag:s28] =	ssyncset.done $0x0  }
0x100: {  	[sflag:s28] =	ssyncadd.s32 $0xFFFFFF80  }
0x101: {  	_ =	swait.ge [sflag:s28], $0x80  }
0x102: {  	[sflag:s28] =	ssyncset.done $0x0  }
0x103: {  	[sflag:s28] =	ssyncadd.s32 $0xFFFFFF80  }
.Ltmp8:
0x104: {  	_ =	swait.ge [sflag:s28], $0x80;
	(pc) =	sbr.rel @p1 .LBB2_18-.Ltmp8, $4  }
0x105: {  	[sflag:s28] =	ssyncset.done $0x0  }
0x106: {  	[sflag:s28] =	ssyncadd.s32 $0xFFFFFF80  }
0x107: {  	_ =	swait.ge [sflag:s28], $0x80  }
0x108: {  	[sflag:s28] =	ssyncset.done $0x0  }
0x109: {  	[sflag:s28] =	ssyncadd.s32 $0xFFFFFF80  }
0x10a: {  	_ =	swait.ge [sflag:s28], $0x80  }
0x10b: {  	[sflag:s28] =	ssyncset.done $0x0  }
0x10c: {  	[sflag:s28] =	ssyncadd.s32 $0xFFFFFF80  }
0x10d: {  	_ =	swait.ge [sflag:s28], $0x80  }
0x10e: {  	[sflag:s28] =	ssyncset.done $0x0  }
0x10f: {  	[sflag:s28] =	ssyncadd.s32 $0xFFFFFF80  }
0x110: {  	_ =	swait.ge [sflag:s28], $0x80  }
0x111: {  	[sflag:s28] =	ssyncset.done $0x0  }
0x112: {  	[sflag:s28] =	ssyncadd.s32 $0xFFFFFF80  }
0x113: {  	_ =	swait.ge [sflag:s28], $0x80  }
0x114: {  	s0 =	simm.s32 $0x27;
	[sflag:s28] =	ssyncset.done $0x0  }
.LBB2_20:
0x115: {  	p1 =	sne.s32 s0, $0x1;
	s0 =	sadd.s32 $0xFFFFFFFF, s0;
	[sflag:s28] =	ssyncadd.s32 $0xFFFFFF80  }
0x116: {  	_ =	swait.ge [sflag:s28], $0x80  }
0x117: {  	[sflag:s28] =	ssyncset.done $0x0  }
0x118: {  	[sflag:s28] =	ssyncadd.s32 $0xFFFFFF80  }
0x119: {  	_ =	swait.ge [sflag:s28], $0x80  }
0x11a: {  	[sflag:s28] =	ssyncset.done $0x0  }
0x11b: {  	[sflag:s28] =	ssyncadd.s32 $0xFFFFFF80  }
.Ltmp9:
0x11c: {  	_ =	swait.ge [sflag:s28], $0x80;
	(pc) =	sbr.rel @p1 .LBB2_20-.Ltmp9, $4  }
0x11d: {  	[sflag:s28] =	ssyncset.done $0x0  }
0x11e: {  	[sflag:s28] =	ssyncadd.s32 $0xFFFFFF80  }
0x11f: {  	_ =	swait.ge [sflag:s28], $0x80  }
0x120: {  	[sflag:s28] =	ssyncset.done $0x0  }
0x121: {  	s2 =	sadd.s32 $0x1, s2  }
0x122: {  	p1 =	sne.s32 s2, s11  }
.Ltmp10:
0x123: {  	[sflag:s28] =	ssyncadd.s32 $0xFFFFFF80;
	(pc) =	sbr.rel @p1 .LBB2_1-.Ltmp10, $4  }
0x124: {  	[hbm4b:s10+s4] =	stream.linear.scatter [tilespmem:s21], [sflag:$0x7], $0x200, $0x38;
	[tilespmem:$0x1E6A8] =	vst v63  }
0x125: {  	_ =	swait.ge [sflag:s18], $0x200  }
0x126: {  	[sflag:s18] =	ssyncset.done $0x0  }
0x127: {  	[sflag:s18] =	ssyncadd.s32 $0xFFFFFE00  }
0x128: {  	_ =	sfence.sel $0x180000  }
0x129: {  	[bflag:$0x0] =	sbarrier.arrive $0xFFFF  }
0x12a: {  	_ =	strace $0x90000047  }
0x12b: {  	[bflag:$0x2] =	sbarrier.arrive $0xFFFF  }
0x12c: {  	s0 =	rddreg [dreg:$0x5]  }
0x12d: {  	s0 =	sadd.s32 @!p0 $0x100000, s0  }
0x12e: {  	[sflag:s0] =	ssyncadd.tile.s32 @!p0 $0x1;
	_ =	shalt  }
.Lfunc_end2:
_tile_overlayer_lowered:
.L_overlay_start_2:
0x12f: {  	(tag) =	ssettag $0x2  }
0x130: {  	s0 =	rddreg [dreg:$0x0];
	s2 =	stileid.u32  }
0x131: {  	s1 =	rddreg [dreg:$0x1];
	p0 =	sne.s32 s2, $0x0  }
0x132: {  	s3 =	rddreg [dreg:$0x2];
	[bflag:$0x3] =	sbarrier.arrive $0xFFFF;
	s2 =	simm.s32 @!p0 $0x1C07  }
0x133: {  	[timem:s3], [sflag:s2] =	dma.local @!p0 [hbm:s0], s1  }
0x134: {  	s0 =	simm.s32 @!p0 $0x7  }
0x135: {  	_ =	swait.ge @!p0 [sflag:s0], s1  }
0x136: {  	s1 =	ssub.s32 @!p0 $0x0, s1;
	[sflag:s0] =	ssyncset.done @!p0 $0x0  }
0x137: {  	[sflag:s0] =	ssyncadd.s32 @!p0 s1  }
0x138: {  	[bflag:$0x3] =	sbarrier.arrive $0xFFFF  }
0x139: {  	_ =	shalt  }

</sc_bundles>
